<compile_context>
chip_gen: v7x
topology: tpu7x:2x2x1
jax: 0.10.2.dev20260603
libtpu: 0.0.44.dev20260713+nightly
codegen_flags: <defaults>
</compile_context>

<pallas_src>
import jax
import jax.numpy as jnp
import numpy as np
from jax import lax
from jax.experimental import pallas as pl
from jax.experimental.pallas import tpu as pltpu
from jax.experimental.pallas import tpu_sc as plsc

TABLE_SIZE = 524288
NUM_LEVELS = 16
MIN_RESOLUTION = 16
MAX_RESOLUTION = 2048
FEATURE_DIM = 2
N_POINTS = 131072

_K1 = int(np.uint32(2654435761).view(np.int32))
_K2 = 805459861
_MASK = TABLE_SIZE - 1

NW = 32
NPW = N_POINTS // NW
P = 512
NCHUNK = NPW // P
NG = P // 16
OUTD = NUM_LEVELS * FEATURE_DIM
NIDX = 8 * P


def _body(xt_hbm, tpk_hbm, scal_hbm, out_hbm,
          shared, xv, sv, wv0, wv1, idx0, idx1, rows0, rows1, outv,
          sem0, sem1, sem_stage):
    cid = lax.axis_index("c")
    sid = lax.axis_index("s")
    wid = sid * 2 + cid
    base_w = wid * NPW

    pltpu.sync_copy(scal_hbm, sv)
    for c in range(3):
        pltpu.sync_copy(xt_hbm.at[pl.ds(c * N_POINTS + base_w, NPW)],
                        xv.at[pl.ds(c * NPW, NPW)])

    @pl.when(sid == 0)
    def _():
        pltpu.async_copy(tpk_hbm.at[pl.ds(0, TABLE_SIZE)],
                         shared.at[pl.ds(0, TABLE_SIZE)], sem_stage)

    def hashp(l, parity, ci, idxb, wvb):
        off = ci * P
        sbase = parity * TABLE_SIZE

        @plsc.parallel_loop(0, NG, 1, unroll=2)
        def grp1(g):
            p0 = off + g * 16
            x0 = xv[pl.ds(p0, 16)]
            x1 = xv[pl.ds(NPW + p0, 16)]
            x2 = xv[pl.ds(2 * NPW + p0, 16)]
            s = sv[pl.ds(l * 16, 16)]
            sx0 = x0 * s
            sx1 = x1 * s
            sx2 = x2 * s
            f0 = sx0.astype(jnp.int32)
            f1 = sx1.astype(jnp.int32)
            f2 = sx2.astype(jnp.int32)
            ff0 = f0.astype(jnp.float32)
            ff1 = f1.astype(jnp.float32)
            ff2 = f2.astype(jnp.float32)
            c0 = jnp.where(sx0 > ff0, f0 + 1, f0)
            c1 = jnp.where(sx1 > ff1, f1 + 1, f1)
            c2 = jnp.where(sx2 > ff2, f2 + 1, f2)
            wvb[pl.ds(0 * P + g * 16, 16)] = sx0 - ff0
            wvb[pl.ds(1 * P + g * 16, 16)] = sx1 - ff1
            wvb[pl.ds(2 * P + g * 16, 16)] = sx2 - ff2
            tyc = c1 * _K1
            tyf = f1 * _K1
            tzc = c2 * _K2
            tzf = f2 * _K2
            xy_cc = c0 ^ tyc
            xy_cf = c0 ^ tyf
            xy_fc = f0 ^ tyc
            xy_ff = f0 ^ tyf
            hs = [
                xy_cc ^ tzc, xy_cc ^ tzf, xy_cf ^ tzc, xy_fc ^ tzc,
                xy_cf ^ tzf, xy_fc ^ tzf, xy_ff ^ tzc, xy_ff ^ tzf,
            ]
            for k in range(8):
                idxb[pl.ds(k * P + g * 16, 16)] = (hs[k] & _MASK) + sbase

    def interp(l, ci, rowsb, wvb):
        @plsc.parallel_loop(0, NG, 1, unroll=2)
        def grp2(g):
            wx = wvb[pl.ds(0 * P + g * 16, 16)]
            wy = wvb[pl.ds(1 * P + g * 16, 16)]
            wz = wvb[pl.ds(2 * P + g * 16, 16)]
            fpk = [rowsb[pl.ds(k * P + g * 16, 16)] for k in range(8)]
            for ch in range(2):
                if ch == 0:
                    f = [plsc.bitcast(v << 16, jnp.float32) for v in fpk]
                else:
                    f = [plsc.bitcast(v & (-65536), jnp.float32) for v in fpk]
                f03 = f[3] + wx * (f[0] - f[3])
                f12 = f[2] + wx * (f[1] - f[2])
                f56 = f[6] + wx * (f[5] - f[6])
                f47 = f[7] + wx * (f[4] - f[7])
                f0312 = f12 + wy * (f03 - f12)
                f4756 = f56 + wy * (f47 - f56)
                enc = f4756 + wz * (f0312 - f4756)
                outv[ch, pl.ds(g * 16, 16)] = enc
        pltpu.sync_copy(
            outv, out_hbm.at[pl.ds(2 * l, 2), pl.ds(base_w + ci * P, P)])

    def level_body(l, carry):
        parity = l & 1

        @pl.when(sid == 0)
        def _():
            pltpu.make_async_copy(
                tpk_hbm.at[pl.ds(l * TABLE_SIZE, TABLE_SIZE)],
                shared.at[pl.ds(parity * TABLE_SIZE, TABLE_SIZE)],
                sem_stage).wait()

        plsc.subcore_barrier()

        @pl.when(jnp.logical_and(sid == 0, l < NUM_LEVELS - 1))
        def _():
            nparity = parity ^ 1
            pltpu.async_copy(
                tpk_hbm.at[pl.ds((l + 1) * TABLE_SIZE, TABLE_SIZE)],
                shared.at[pl.ds(nparity * TABLE_SIZE, TABLE_SIZE)],
                sem_stage)

        hashp(l, parity, 0, idx0, wv0)
        pltpu.async_copy(shared.at[idx0], rows0, sem0)

        def pair(j, carry2):
            i0 = 2 * j
            hashp(l, parity, i0 + 1, idx1, wv1)
            pltpu.async_copy(shared.at[idx1], rows1, sem1)
            pltpu.make_async_copy(shared.at[idx0], rows0, sem0).wait()
            interp(l, i0, rows0, wv0)

            @pl.when(j < NCHUNK // 2 - 1)
            def _():
                hashp(l, parity, i0 + 2, idx0, wv0)
                pltpu.async_copy(shared.at[idx0], rows0, sem0)

            pltpu.make_async_copy(shared.at[idx1], rows1, sem1).wait()
            interp(l, i0 + 1, rows1, wv1)
            return carry2

        lax.fori_loop(0, NCHUNK // 2, pair, 0)
        return carry

    lax.fori_loop(0, NUM_LEVELS, level_body, 0)


@jax.jit
def kernel(x, hash_table):
    levels = jnp.arange(NUM_LEVELS)
    gf = jnp.exp((jnp.log(float(MAX_RESOLUTION)) - jnp.log(float(MIN_RESOLUTION)))
                 / (NUM_LEVELS - 1))
    scalings = jnp.floor(MIN_RESOLUTION * gf ** levels).astype(jnp.float32)
    scal_splat = jnp.broadcast_to(scalings[:, None], (NUM_LEVELS, 16)).reshape(-1)
    xt = x.T.reshape(-1)
    u = jax.lax.bitcast_convert_type(hash_table, jnp.uint32)
    r = (u + 0x7FFF + ((u >> 16) & 1)) >> 16
    tpk = jax.lax.bitcast_convert_type(r[:, 0] | (r[:, 1] << 16), jnp.int32)

    mesh = plsc.VectorSubcoreMesh(core_axis_name="c", subcore_axis_name="s")
    run = pl.kernel(
        _body,
        out_type=jax.ShapeDtypeStruct((OUTD, N_POINTS), jnp.float32),
        mesh=mesh,
        scratch_types=[
            pltpu.VMEM_SHARED((2 * TABLE_SIZE,), jnp.int32),
            pltpu.VMEM((3 * NPW,), jnp.float32),
            pltpu.VMEM((NUM_LEVELS * 16,), jnp.float32),
            pltpu.VMEM((3 * P,), jnp.float32),
            pltpu.VMEM((3 * P,), jnp.float32),
            pltpu.VMEM((NIDX,), jnp.int32),
            pltpu.VMEM((NIDX,), jnp.int32),
            pltpu.VMEM((NIDX,), jnp.int32),
            pltpu.VMEM((NIDX,), jnp.int32),
            pltpu.VMEM((2, P), jnp.float32),
            pltpu.SemaphoreType.DMA,
            pltpu.SemaphoreType.DMA,
            pltpu.SemaphoreType.DMA,
        ],
        compiler_params=pltpu.CompilerParams(needs_layout_passes=False),
    )
    out = run(xt, tpk, scal_splat)
    return out.T

# --- scband reference (transcript-rebuilt; emitter-appended) ---
"""Pipeline reference for scband-multi-resolution-hash-encoding-78975858639607 (READ-ONLY COPY).

The authoritative reference and input builder live on the scoring server;
editing this copy changes nothing except your own understanding.
"""

import jax, jax.numpy as jnp
import numpy as np

TABLE_SIZE = 524288
NUM_LEVELS = 16
MIN_RESOLUTION = 16
MAX_RESOLUTION = 2048
FEATURE_DIM = 2
N_POINTS = 131072

_HASH_CONSTS = jnp.asarray(np.array([1, 2654435761, 805459861], dtype=np.uint32).view(np.int32))


def hash_function_3d(x, table_size, hash_offset):
    pre_xor = x * _HASH_CONSTS
    h = jnp.bitwise_xor(pre_xor[..., 0], pre_xor[..., 1])
    h = jnp.bitwise_xor(h, pre_xor[..., 2])
    h = h % table_size
    h = h + hash_offset
    return h


def interpolate_hash_features(feature_a, feature_b, coefficient):
    def _scale(f, c):
        return jnp.einsum('ij,i->ij', f, c)
    return _scale(feature_a, coefficient) + _scale(feature_b, 1 - coefficient)


def scale_point_to_hash_levels(x, scalings):
    scaled = jnp.einsum('ij,k->ikj', x, scalings)
    scaled_c = jnp.ceil(scaled).astype(jnp.int32)
    scaled_f = jnp.floor(scaled).astype(jnp.int32)
    point_offset = scaled - scaled_f
    return scaled, scaled_c, scaled_f, point_offset


def multi_resolution_hash_encoding_3d(x, scalings, hash_offset, table_size, hash_table):
    scaled, scaled_c, scaled_f, point_offset = scale_point_to_hash_levels(x, scalings)
    vertex_0 = scaled_c
    vertex_1 = jnp.concatenate([scaled_c[..., 0:1], scaled_c[..., 1:2], scaled_f[..., 2:3]], axis=-1)
    vertex_2 = jnp.concatenate([scaled_c[..., 0:1], scaled_f[..., 1:2], scaled_c[..., 2:3]], axis=-1)
    vertex_3 = jnp.concatenate([scaled_f[..., 0:1], scaled_c[..., 1:2], scaled_c[..., 2:3]], axis=-1)
    vertex_4 = jnp.concatenate([scaled_c[..., 0:1], scaled_f[..., 1:2], scaled_f[..., 2:3]], axis=-1)
    vertex_5 = jnp.concatenate([scaled_f[..., 0:1], scaled_c[..., 1:2], scaled_f[..., 2:3]], axis=-1)
    vertex_6 = jnp.concatenate([scaled_f[..., 0:1], scaled_f[..., 1:2], scaled_c[..., 2:3]], axis=-1)
    vertex_7 = jnp.concatenate([scaled_f[..., 0:1], scaled_f[..., 1:2], scaled_f[..., 2:3]], axis=-1)
    hash_fn = jax.vmap(jax.vmap(hash_function_3d, in_axes=(0, None, 0)), in_axes=(0, None, None))
    hashed_0 = hash_fn(vertex_0, table_size, hash_offset)
    hashed_1 = hash_fn(vertex_1, table_size, hash_offset)
    hashed_2 = hash_fn(vertex_2, table_size, hash_offset)
    hashed_3 = hash_fn(vertex_3, table_size, hash_offset)
    hashed_4 = hash_fn(vertex_4, table_size, hash_offset)
    hashed_5 = hash_fn(vertex_5, table_size, hash_offset)
    hashed_6 = hash_fn(vertex_6, table_size, hash_offset)
    hashed_7 = hash_fn(vertex_7, table_size, hash_offset)
    f_0 = hash_table[hashed_0, :]
    f_1 = hash_table[hashed_1, :]
    f_2 = hash_table[hashed_2, :]
    f_3 = hash_table[hashed_3, :]
    f_4 = hash_table[hashed_4, :]
    f_5 = hash_table[hashed_5, :]
    f_6 = hash_table[hashed_6, :]
    f_7 = hash_table[hashed_7, :]
    interpolate_fn = jax.vmap(interpolate_hash_features, in_axes=0)
    f_03 = interpolate_fn(f_0, f_3, point_offset[..., 0])
    f_12 = interpolate_fn(f_1, f_2, point_offset[..., 0])
    f_56 = interpolate_fn(f_5, f_6, point_offset[..., 0])
    f_47 = interpolate_fn(f_4, f_7, point_offset[..., 0])
    f_0312 = interpolate_fn(f_03, f_12, point_offset[..., 1])
    f_4756 = interpolate_fn(f_47, f_56, point_offset[..., 1])
    encoded = interpolate_fn(f_0312, f_4756, point_offset[..., 2])
    return encoded


def setup_inputs(seed: int = 0):
    key = jax.random.key(seed)
    k1, k2 = jax.random.split(key)
    x = jax.random.uniform(k1, (N_POINTS, 3), dtype=jnp.float32)
    hash_table = jax.random.uniform(k2, (TABLE_SIZE * NUM_LEVELS, FEATURE_DIM), dtype=jnp.float32, minval=0.0, maxval=1e-4)
    return {"x": x, "hash_table": hash_table}


def reference(x, hash_table):
    levels = jnp.arange(NUM_LEVELS)
    hash_offset = levels * TABLE_SIZE
    growth_factor = jnp.exp((jnp.log(float(MAX_RESOLUTION)) - jnp.log(float(MIN_RESOLUTION))) / (NUM_LEVELS - 1))
    scalings = jnp.floor(MIN_RESOLUTION * growth_factor ** levels)
    encoded = multi_resolution_hash_encoding_3d(x, scalings, hash_offset, TABLE_SIZE, hash_table)
    return jnp.reshape(encoded, (encoded.shape[0], NUM_LEVELS * FEATURE_DIM))

if __name__ == "__main__":
    import jax
    _d = setup_inputs()
    print(jax.jit(kernel)(*tuple(_d.values())))

</pallas_src>

<mosaic_0001>
#map = affine_map<(d0, d1) -> (0)>
#map1 = affine_map<(d0, d1) -> (0, 0)>
module attributes {stable_mosaic.version = 14 : i64} {
  func.func @_body(%arg0: i32, %arg1: i32, %arg2: memref<393216xf32, #tpu.memory_space<hbm>>, %arg3: memref<8388608xi32, #tpu.memory_space<hbm>>, %arg4: memref<256xf32, #tpu.memory_space<hbm>>, %arg5: memref<32x131072xf32, #tpu.memory_space<hbm>>, %arg6: memref<1048576xi32, #tpu.memory_space<vmem_shared>>, %arg7: memref<12288xf32, #tpu.memory_space<vmem>>, %arg8: memref<256xf32, #tpu.memory_space<vmem>>, %arg9: memref<1536xf32, #tpu.memory_space<vmem>>, %arg10: memref<1536xf32, #tpu.memory_space<vmem>>, %arg11: memref<4096xi32, #tpu.memory_space<vmem>>, %arg12: memref<4096xi32, #tpu.memory_space<vmem>>, %arg13: memref<4096xi32, #tpu.memory_space<vmem>>, %arg14: memref<4096xi32, #tpu.memory_space<vmem>>, %arg15: memref<2x512xf32, #tpu.memory_space<vmem>>, %arg16: memref<!tpu.dma_semaphore, #tpu.memory_space<semaphore_mem>>, %arg17: memref<!tpu.dma_semaphore, #tpu.memory_space<semaphore_mem>>, %arg18: memref<!tpu.dma_semaphore, #tpu.memory_space<semaphore_mem>>) attributes {dimension_semantics = [#tpu.dimension_semantics<core_parallel>, #tpu.dimension_semantics<subcore_parallel>], iteration_bounds = array<i64: 2, 16>, scalar_prefetch = 0 : i64, scratch_operands = 13 : i64, tpu.core_type = #tpu.core_type<sc_vector_subcore>, window_params = [{transform_indices = #map}, {transform_indices = #map}, {transform_indices = #map}, {transform_indices = #map1}]} {
    %mul3A = arith.constant 2 : i32
    %mul3A_0 = arith.muli %arg1, %mul3A : i32
    %add3A = arith.addi %mul3A_0, %arg0 : i32
    %mul3A_1 = arith.constant 4096 : i32
    %mul3A_2 = arith.muli %add3A, %mul3A_1 : i32
    "tpu.region"() ({
      %run_scoped3A = tpu.sem_alloc : memref<!tpu.dma_semaphore, #tpu.memory_space<semaphore_mem>>
      tpu.enqueue_dma source(%arg4 : memref<256xf32, #tpu.memory_space<hbm>>) target(%arg8 : memref<256xf32, #tpu.memory_space<vmem>>) target_semaphore(%run_scoped3A : memref<!tpu.dma_semaphore, #tpu.memory_space<semaphore_mem>>)
      tpu.wait_dma2 semaphore(%run_scoped3A : memref<!tpu.dma_semaphore, #tpu.memory_space<semaphore_mem>>) src(%arg4 : memref<256xf32, #tpu.memory_space<hbm>>) dst(%arg8 : memref<256xf32, #tpu.memory_space<vmem>>)
      tpu.yield
    }) : () -> ()
    %add3A_3 = arith.constant 0 : i32
    %add3A_4 = arith.addi %add3A_3, %mul3A_2 : i32
    "tpu.region"() ({
      %run_scoped3A = tpu.sem_alloc : memref<!tpu.dma_semaphore, #tpu.memory_space<semaphore_mem>>
      %dma_start3A = arith.constant 0 : i32
      %dma_start3A_16 = tpu.memref_slice %arg7[%dma_start3A] : memref<12288xf32, #tpu.memory_space<vmem>> -> memref<4096xf32, #tpu.memory_space<vmem>>
      %dma_start3A_17 = tpu.memref_slice %arg2[%add3A_4] : memref<393216xf32, #tpu.memory_space<hbm>> -> memref<4096xf32, #tpu.memory_space<hbm>>
      %dma_start3A_18 = arith.constant 0 : i32
      %dma_start3A_19 = tpu.memref_slice %arg7[%dma_start3A_18] : memref<12288xf32, #tpu.memory_space<vmem>> -> memref<4096xf32, #tpu.memory_space<vmem>>
      %dma_start3A_20 = tpu.memref_slice %arg2[%add3A_4] : memref<393216xf32, #tpu.memory_space<hbm>> -> memref<4096xf32, #tpu.memory_space<hbm>>
      tpu.enqueue_dma source(%dma_start3A_20 : memref<4096xf32, #tpu.memory_space<hbm>>) target(%dma_start3A_19 : memref<4096xf32, #tpu.memory_space<vmem>>) target_semaphore(%run_scoped3A : memref<!tpu.dma_semaphore, #tpu.memory_space<semaphore_mem>>)
      %dma_wait3A = arith.constant 0 : i32
      %dma_wait3A_21 = tpu.memref_slice %arg7[%dma_wait3A] : memref<12288xf32, #tpu.memory_space<vmem>> -> memref<4096xf32, #tpu.memory_space<vmem>>
      %dma_wait3A_22 = tpu.memref_slice %arg2[%add3A_4] : memref<393216xf32, #tpu.memory_space<hbm>> -> memref<4096xf32, #tpu.memory_space<hbm>>
      %dma_wait3A_23 = arith.constant 0 : i32
      %dma_wait3A_24 = tpu.memref_slice %arg7[%dma_wait3A_23] : memref<12288xf32, #tpu.memory_space<vmem>> -> memref<4096xf32, #tpu.memory_space<vmem>>
      %dma_wait3A_25 = tpu.memref_slice %arg2[%add3A_4] : memref<393216xf32, #tpu.memory_space<hbm>> -> memref<4096xf32, #tpu.memory_space<hbm>>
      tpu.wait_dma2 semaphore(%run_scoped3A : memref<!tpu.dma_semaphore, #tpu.memory_space<semaphore_mem>>) src(%dma_wait3A_25 : memref<4096xf32, #tpu.memory_space<hbm>>) dst(%dma_wait3A_24 : memref<4096xf32, #tpu.memory_space<vmem>>)
      tpu.yield
    }) : () -> ()
    %add3A_5 = arith.constant 131072 : i32
    %add3A_6 = arith.addi %add3A_5, %mul3A_2 : i32
    "tpu.region"() ({
      %run_scoped3A = tpu.sem_alloc : memref<!tpu.dma_semaphore, #tpu.memory_space<semaphore_mem>>
      %dma_start3A = arith.constant 4096 : i32
      %dma_start3A_16 = tpu.memref_slice %arg7[%dma_start3A] : memref<12288xf32, #tpu.memory_space<vmem>> -> memref<4096xf32, #tpu.memory_space<vmem>>
      %dma_start3A_17 = tpu.memref_slice %arg2[%add3A_6] : memref<393216xf32, #tpu.memory_space<hbm>> -> memref<4096xf32, #tpu.memory_space<hbm>>
      %dma_start3A_18 = arith.constant 4096 : i32
      %dma_start3A_19 = tpu.memref_slice %arg7[%dma_start3A_18] : memref<12288xf32, #tpu.memory_space<vmem>> -> memref<4096xf32, #tpu.memory_space<vmem>>
      %dma_start3A_20 = tpu.memref_slice %arg2[%add3A_6] : memref<393216xf32, #tpu.memory_space<hbm>> -> memref<4096xf32, #tpu.memory_space<hbm>>
      tpu.enqueue_dma source(%dma_start3A_20 : memref<4096xf32, #tpu.memory_space<hbm>>) target(%dma_start3A_19 : memref<4096xf32, #tpu.memory_space<vmem>>) target_semaphore(%run_scoped3A : memref<!tpu.dma_semaphore, #tpu.memory_space<semaphore_mem>>)
      %dma_wait3A = arith.constant 4096 : i32
      %dma_wait3A_21 = tpu.memref_slice %arg7[%dma_wait3A] : memref<12288xf32, #tpu.memory_space<vmem>> -> memref<4096xf32, #tpu.memory_space<vmem>>
      %dma_wait3A_22 = tpu.memref_slice %arg2[%add3A_6] : memref<393216xf32, #tpu.memory_space<hbm>> -> memref<4096xf32, #tpu.memory_space<hbm>>
      %dma_wait3A_23 = arith.constant 4096 : i32
      %dma_wait3A_24 = tpu.memref_slice %arg7[%dma_wait3A_23] : memref<12288xf32, #tpu.memory_space<vmem>> -> memref<4096xf32, #tpu.memory_space<vmem>>
      %dma_wait3A_25 = tpu.memref_slice %arg2[%add3A_6] : memref<393216xf32, #tpu.memory_space<hbm>> -> memref<4096xf32, #tpu.memory_space<hbm>>
      tpu.wait_dma2 semaphore(%run_scoped3A : memref<!tpu.dma_semaphore, #tpu.memory_space<semaphore_mem>>) src(%dma_wait3A_25 : memref<4096xf32, #tpu.memory_space<hbm>>) dst(%dma_wait3A_24 : memref<4096xf32, #tpu.memory_space<vmem>>)
      tpu.yield
    }) : () -> ()
    %add3A_7 = arith.constant 262144 : i32
    %add3A_8 = arith.addi %add3A_7, %mul3A_2 : i32
    "tpu.region"() ({
      %run_scoped3A = tpu.sem_alloc : memref<!tpu.dma_semaphore, #tpu.memory_space<semaphore_mem>>
      %dma_start3A = arith.constant 8192 : i32
      %dma_start3A_16 = tpu.memref_slice %arg7[%dma_start3A] : memref<12288xf32, #tpu.memory_space<vmem>> -> memref<4096xf32, #tpu.memory_space<vmem>>
      %dma_start3A_17 = tpu.memref_slice %arg2[%add3A_8] : memref<393216xf32, #tpu.memory_space<hbm>> -> memref<4096xf32, #tpu.memory_space<hbm>>
      %dma_start3A_18 = arith.constant 8192 : i32
      %dma_start3A_19 = tpu.memref_slice %arg7[%dma_start3A_18] : memref<12288xf32, #tpu.memory_space<vmem>> -> memref<4096xf32, #tpu.memory_space<vmem>>
      %dma_start3A_20 = tpu.memref_slice %arg2[%add3A_8] : memref<393216xf32, #tpu.memory_space<hbm>> -> memref<4096xf32, #tpu.memory_space<hbm>>
      tpu.enqueue_dma source(%dma_start3A_20 : memref<4096xf32, #tpu.memory_space<hbm>>) target(%dma_start3A_19 : memref<4096xf32, #tpu.memory_space<vmem>>) target_semaphore(%run_scoped3A : memref<!tpu.dma_semaphore, #tpu.memory_space<semaphore_mem>>)
      %dma_wait3A = arith.constant 8192 : i32
      %dma_wait3A_21 = tpu.memref_slice %arg7[%dma_wait3A] : memref<12288xf32, #tpu.memory_space<vmem>> -> memref<4096xf32, #tpu.memory_space<vmem>>
      %dma_wait3A_22 = tpu.memref_slice %arg2[%add3A_8] : memref<393216xf32, #tpu.memory_space<hbm>> -> memref<4096xf32, #tpu.memory_space<hbm>>
      %dma_wait3A_23 = arith.constant 8192 : i32
      %dma_wait3A_24 = tpu.memref_slice %arg7[%dma_wait3A_23] : memref<12288xf32, #tpu.memory_space<vmem>> -> memref<4096xf32, #tpu.memory_space<vmem>>
      %dma_wait3A_25 = tpu.memref_slice %arg2[%add3A_8] : memref<393216xf32, #tpu.memory_space<hbm>> -> memref<4096xf32, #tpu.memory_space<hbm>>
      tpu.wait_dma2 semaphore(%run_scoped3A : memref<!tpu.dma_semaphore, #tpu.memory_space<semaphore_mem>>) src(%dma_wait3A_25 : memref<4096xf32, #tpu.memory_space<hbm>>) dst(%dma_wait3A_24 : memref<4096xf32, #tpu.memory_space<vmem>>)
      tpu.yield
    }) : () -> ()
    %eq3A = arith.constant 0 : i32
    %eq3A_9 = arith.cmpi eq, %arg1, %eq3A : i32
    %convert_element_type3A = arith.extui %eq3A_9 : i1 to i32
    %cond3A = arith.constant 0 : i32
    %cond3A_10 = arith.cmpi ne, %convert_element_type3A, %cond3A : i32
    scf.if %cond3A_10 {
      %dma_start3A = arith.constant 0 : i32
      %dma_start3A_16 = tpu.memref_slice %arg6[%dma_start3A] : memref<1048576xi32, #tpu.memory_space<vmem_shared>> -> memref<524288xi32, #tpu.memory_space<vmem_shared>>
      %dma_start3A_17 = arith.constant 0 : i32
      %dma_start3A_18 = tpu.memref_slice %arg3[%dma_start3A_17] : memref<8388608xi32, #tpu.memory_space<hbm>> -> memref<524288xi32, #tpu.memory_space<hbm>>
      tpu.enqueue_dma source(%dma_start3A_18 : memref<524288xi32, #tpu.memory_space<hbm>>) target(%dma_start3A_16 : memref<524288xi32, #tpu.memory_space<vmem_shared>>) target_semaphore(%arg18 : memref<!tpu.dma_semaphore, #tpu.memory_space<semaphore_mem>>)
    } else {
    }
    %scan3A = arith.constant 0 : i32
    %scan3A_11 = arith.constant 0 : i32
    %scan3A_12 = arith.constant 16 : i32
    %scan3A_13 = arith.addi %scan3A_11, %scan3A_12 : i32
    %scan3A_14 = arith.constant 1 : i32
    scf.for %scan3A_16 = %scan3A_11 to %scan3A_13 step %scan3A_14  : i32 {
      %and3A = arith.constant 1 : i32
      %and3A_17 = arith.andi %scan3A_16, %and3A : i32
      %eq3A_18 = arith.constant 0 : i32
      %eq3A_19 = arith.cmpi eq, %arg1, %eq3A_18 : i32
      %convert_element_type3A_20 = arith.extui %eq3A_19 : i1 to i32
      %cond3A_21 = arith.constant 0 : i32
      %cond3A_22 = arith.cmpi ne, %convert_element_type3A_20, %cond3A_21 : i32
      scf.if %cond3A_22 {
        %mul3A_41 = arith.constant 524288 : i32
        %mul3A_42 = arith.muli %scan3A_16, %mul3A_41 : i32
        %mul3A_43 = arith.constant 524288 : i32
        %mul3A_44 = arith.muli %and3A_17, %mul3A_43 : i32
        %dma_wait3A = tpu.memref_slice %arg6[%mul3A_44] : memref<1048576xi32, #tpu.memory_space<vmem_shared>> -> memref<524288xi32, #tpu.memory_space<vmem_shared>>
        %dma_wait3A_45 = tpu.memref_slice %arg3[%mul3A_42] : memref<8388608xi32, #tpu.memory_space<hbm>> -> memref<524288xi32, #tpu.memory_space<hbm>>
        tpu.wait_dma2 semaphore(%arg18 : memref<!tpu.dma_semaphore, #tpu.memory_space<semaphore_mem>>) src(%dma_wait3A_45 : memref<524288xi32, #tpu.memory_space<hbm>>) dst(%dma_wait3A : memref<524288xi32, #tpu.memory_space<vmem_shared>>)
      } else {
      }
      %barrier3A = arith.constant 0 : index
      tpu.barrier barrier_id(%barrier3A)
      %eq3A_23 = arith.constant 0 : i32
      %eq3A_24 = arith.cmpi eq, %arg1, %eq3A_23 : i32
      %lt3A = arith.constant 15 : i32
      %lt3A_25 = arith.cmpi slt, %scan3A_16, %lt3A : i32
      %and3A_26 = arith.andi %eq3A_24, %lt3A_25 : i1
      %convert_element_type3A_27 = arith.extui %and3A_26 : i1 to i32
      %cond3A_28 = arith.constant 0 : i32
      %cond3A_29 = arith.cmpi ne, %convert_element_type3A_27, %cond3A_28 : i32
      scf.if %cond3A_29 {
        %xor3A = arith.constant 1 : i32
        %xor3A_41 = arith.xori %and3A_17, %xor3A : i32
        %add3A_42 = arith.constant 1 : i32
        %add3A_43 = arith.addi %scan3A_16, %add3A_42 : i32
        %mul3A_44 = arith.constant 524288 : i32
        %mul3A_45 = arith.muli %add3A_43, %mul3A_44 : i32
        %mul3A_46 = arith.constant 524288 : i32
        %mul3A_47 = arith.muli %xor3A_41, %mul3A_46 : i32
        %dma_start3A_48 = tpu.memref_slice %arg6[%mul3A_47] : memref<1048576xi32, #tpu.memory_space<vmem_shared>> -> memref<524288xi32, #tpu.memory_space<vmem_shared>>
        %dma_start3A_49 = tpu.memref_slice %arg3[%mul3A_45] : memref<8388608xi32, #tpu.memory_space<hbm>> -> memref<524288xi32, #tpu.memory_space<hbm>>
        tpu.enqueue_dma source(%dma_start3A_49 : memref<524288xi32, #tpu.memory_space<hbm>>) target(%dma_start3A_48 : memref<524288xi32, #tpu.memory_space<vmem_shared>>) target_semaphore(%arg18 : memref<!tpu.dma_semaphore, #tpu.memory_space<semaphore_mem>>)
      } else {
      }
      %mul3A_30 = arith.constant 524288 : i32
      %mul3A_31 = arith.muli %and3A_17, %mul3A_30 : i32
      %parallel_loop3A = arith.constant 0 : i32
      %parallel_loop3A_32 = arith.constant 32 : i32
      %parallel_loop3A_33 = arith.constant 1 : i32
      scf.for %parallel_loop3A_41 = %parallel_loop3A to %parallel_loop3A_32 step %parallel_loop3A_33  : i32 {
        %parallel_loop3A_42 = arith.constant 16 : i32
        %parallel_loop3A_43 = arith.muli %parallel_loop3A_41, %parallel_loop3A_42 : i32
        %parallel_loop3A_44 = arith.constant 0 : i32
        %parallel_loop3A_45 = arith.addi %parallel_loop3A_44, %parallel_loop3A_43 : i32
        %parallel_loop3A_46 = arith.index_cast %parallel_loop3A_45 : i32 to index
        %parallel_loop3A_47 = tpu.vector_load %arg7[%parallel_loop3A_46] {strides = array<i32>} : memref<12288xf32, #tpu.memory_space<vmem>>, vector<16xf32>,
        %parallel_loop3A_48 = arith.constant 4096 : i32
        %parallel_loop3A_49 = arith.addi %parallel_loop3A_48, %parallel_loop3A_45 : i32
        %parallel_loop3A_50 = arith.index_cast %parallel_loop3A_49 : i32 to index
        %parallel_loop3A_51 = tpu.vector_load %arg7[%parallel_loop3A_50] {strides = array<i32>} : memref<12288xf32, #tpu.memory_space<vmem>>, vector<16xf32>,
        %parallel_loop3A_52 = arith.constant 8192 : i32
        %parallel_loop3A_53 = arith.addi %parallel_loop3A_52, %parallel_loop3A_45 : i32
        %parallel_loop3A_54 = arith.index_cast %parallel_loop3A_53 : i32 to index
        %parallel_loop3A_55 = tpu.vector_load %arg7[%parallel_loop3A_54] {strides = array<i32>} : memref<12288xf32, #tpu.memory_space<vmem>>, vector<16xf32>,
        %parallel_loop3A_56 = arith.constant 16 : i32
        %parallel_loop3A_57 = arith.muli %scan3A_16, %parallel_loop3A_56 : i32
        %parallel_loop3A_58 = arith.index_cast %parallel_loop3A_57 : i32 to index
        %parallel_loop3A_59 = tpu.vector_load %arg8[%parallel_loop3A_58] {strides = array<i32>} : memref<256xf32, #tpu.memory_space<vmem>>, vector<16xf32>,
        %parallel_loop3A_60 = arith.mulf %parallel_loop3A_47, %parallel_loop3A_59 : vector<16xf32>
        %parallel_loop3A_61 = arith.mulf %parallel_loop3A_51, %parallel_loop3A_59 : vector<16xf32>
        %parallel_loop3A_62 = arith.mulf %parallel_loop3A_55, %parallel_loop3A_59 : vector<16xf32>
        %parallel_loop3A_63 = arith.fptosi %parallel_loop3A_60 : vector<16xf32> to vector<16xi32>
        %parallel_loop3A_64 = arith.fptosi %parallel_loop3A_61 : vector<16xf32> to vector<16xi32>
        %parallel_loop3A_65 = arith.fptosi %parallel_loop3A_62 : vector<16xf32> to vector<16xi32>
        %parallel_loop3A_66 = arith.sitofp %parallel_loop3A_63 : vector<16xi32> to vector<16xf32>
        %parallel_loop3A_67 = arith.sitofp %parallel_loop3A_64 : vector<16xi32> to vector<16xf32>
        %parallel_loop3A_68 = arith.sitofp %parallel_loop3A_65 : vector<16xi32> to vector<16xf32>
        %parallel_loop3A_69 = arith.cmpf ogt, %parallel_loop3A_60, %parallel_loop3A_66 : vector<16xf32>
        %parallel_loop3A_70 = arith.constant 1 : i32
        %parallel_loop3A_71 = vector.broadcast %parallel_loop3A_70 : i32 to vector<16xi32>
        %parallel_loop3A_72 = arith.addi %parallel_loop3A_63, %parallel_loop3A_71 : vector<16xi32>
        %parallel_loop3A_73 = arith.select %parallel_loop3A_69, %parallel_loop3A_72, %parallel_loop3A_63 : vector<16xi1>, vector<16xi32>
        %parallel_loop3A_74 = arith.cmpf ogt, %parallel_loop3A_61, %parallel_loop3A_67 : vector<16xf32>
        %parallel_loop3A_75 = arith.constant 1 : i32
        %parallel_loop3A_76 = vector.broadcast %parallel_loop3A_75 : i32 to vector<16xi32>
        %parallel_loop3A_77 = arith.addi %parallel_loop3A_64, %parallel_loop3A_76 : vector<16xi32>
        %parallel_loop3A_78 = arith.select %parallel_loop3A_74, %parallel_loop3A_77, %parallel_loop3A_64 : vector<16xi1>, vector<16xi32>
        %parallel_loop3A_79 = arith.cmpf ogt, %parallel_loop3A_62, %parallel_loop3A_68 : vector<16xf32>
        %parallel_loop3A_80 = arith.constant 1 : i32
        %parallel_loop3A_81 = vector.broadcast %parallel_loop3A_80 : i32 to vector<16xi32>
        %parallel_loop3A_82 = arith.addi %parallel_loop3A_65, %parallel_loop3A_81 : vector<16xi32>
        %parallel_loop3A_83 = arith.select %parallel_loop3A_79, %parallel_loop3A_82, %parallel_loop3A_65 : vector<16xi1>, vector<16xi32>
        %parallel_loop3A_84 = arith.subf %parallel_loop3A_60, %parallel_loop3A_66 : vector<16xf32>
        %parallel_loop3A_85 = arith.constant 16 : i32
        %parallel_loop3A_86 = arith.muli %parallel_loop3A_41, %parallel_loop3A_85 : i32
        %parallel_loop3A_87 = arith.constant 0 : i32
        %parallel_loop3A_88 = arith.addi %parallel_loop3A_87, %parallel_loop3A_86 : i32
        %parallel_loop3A_89 = arith.index_cast %parallel_loop3A_88 : i32 to index
        %parallel_loop3A_90 = tpu.vector_load %arg9[%parallel_loop3A_89] {strides = array<i32>} : memref<1536xf32, #tpu.memory_space<vmem>>, vector<16xf32>,
        tpu.vector_store %arg9[%parallel_loop3A_89], %parallel_loop3A_84 {strides = array<i32>} : memref<1536xf32, #tpu.memory_space<vmem>>, vector<16xf32>,
        %parallel_loop3A_91 = arith.subf %parallel_loop3A_61, %parallel_loop3A_67 : vector<16xf32>
        %parallel_loop3A_92 = arith.constant 16 : i32
        %parallel_loop3A_93 = arith.muli %parallel_loop3A_41, %parallel_loop3A_92 : i32
        %parallel_loop3A_94 = arith.constant 512 : i32
        %parallel_loop3A_95 = arith.addi %parallel_loop3A_94, %parallel_loop3A_93 : i32
        %parallel_loop3A_96 = arith.index_cast %parallel_loop3A_95 : i32 to index
        %parallel_loop3A_97 = tpu.vector_load %arg9[%parallel_loop3A_96] {strides = array<i32>} : memref<1536xf32, #tpu.memory_space<vmem>>, vector<16xf32>,
        tpu.vector_store %arg9[%parallel_loop3A_96], %parallel_loop3A_91 {strides = array<i32>} : memref<1536xf32, #tpu.memory_space<vmem>>, vector<16xf32>,
        %parallel_loop3A_98 = arith.subf %parallel_loop3A_62, %parallel_loop3A_68 : vector<16xf32>
        %parallel_loop3A_99 = arith.constant 16 : i32
        %parallel_loop3A_100 = arith.muli %parallel_loop3A_41, %parallel_loop3A_99 : i32
        %parallel_loop3A_101 = arith.constant 1024 : i32
        %parallel_loop3A_102 = arith.addi %parallel_loop3A_101, %parallel_loop3A_100 : i32
        %parallel_loop3A_103 = arith.index_cast %parallel_loop3A_102 : i32 to index
        %parallel_loop3A_104 = tpu.vector_load %arg9[%parallel_loop3A_103] {strides = array<i32>} : memref<1536xf32, #tpu.memory_space<vmem>>, vector<16xf32>,
        tpu.vector_store %arg9[%parallel_loop3A_103], %parallel_loop3A_98 {strides = array<i32>} : memref<1536xf32, #tpu.memory_space<vmem>>, vector<16xf32>,
        %parallel_loop3A_105 = arith.constant -1640531535 : i32
        %parallel_loop3A_106 = vector.broadcast %parallel_loop3A_105 : i32 to vector<16xi32>
        %parallel_loop3A_107 = arith.muli %parallel_loop3A_78, %parallel_loop3A_106 : vector<16xi32>
        %parallel_loop3A_108 = arith.constant -1640531535 : i32
        %parallel_loop3A_109 = vector.broadcast %parallel_loop3A_108 : i32 to vector<16xi32>
        %parallel_loop3A_110 = arith.muli %parallel_loop3A_64, %parallel_loop3A_109 : vector<16xi32>
        %parallel_loop3A_111 = arith.constant 805459861 : i32
        %parallel_loop3A_112 = vector.broadcast %parallel_loop3A_111 : i32 to vector<16xi32>
        %parallel_loop3A_113 = arith.muli %parallel_loop3A_83, %parallel_loop3A_112 : vector<16xi32>
        %parallel_loop3A_114 = arith.constant 805459861 : i32
        %parallel_loop3A_115 = vector.broadcast %parallel_loop3A_114 : i32 to vector<16xi32>
        %parallel_loop3A_116 = arith.muli %parallel_loop3A_65, %parallel_loop3A_115 : vector<16xi32>
        %parallel_loop3A_117 = arith.xori %parallel_loop3A_73, %parallel_loop3A_107 : vector<16xi32>
        %parallel_loop3A_118 = arith.xori %parallel_loop3A_73, %parallel_loop3A_110 : vector<16xi32>
        %parallel_loop3A_119 = arith.xori %parallel_loop3A_63, %parallel_loop3A_107 : vector<16xi32>
        %parallel_loop3A_120 = arith.xori %parallel_loop3A_63, %parallel_loop3A_110 : vector<16xi32>
        %parallel_loop3A_121 = arith.xori %parallel_loop3A_117, %parallel_loop3A_113 : vector<16xi32>
        %parallel_loop3A_122 = arith.xori %parallel_loop3A_117, %parallel_loop3A_116 : vector<16xi32>
        %parallel_loop3A_123 = arith.xori %parallel_loop3A_118, %parallel_loop3A_113 : vector<16xi32>
        %parallel_loop3A_124 = arith.xori %parallel_loop3A_119, %parallel_loop3A_113 : vector<16xi32>
        %parallel_loop3A_125 = arith.xori %parallel_loop3A_118, %parallel_loop3A_116 : vector<16xi32>
        %parallel_loop3A_126 = arith.xori %parallel_loop3A_119, %parallel_loop3A_116 : vector<16xi32>
        %parallel_loop3A_127 = arith.xori %parallel_loop3A_120, %parallel_loop3A_113 : vector<16xi32>
        %parallel_loop3A_128 = arith.xori %parallel_loop3A_120, %parallel_loop3A_116 : vector<16xi32>
        %parallel_loop3A_129 = arith.constant 524287 : i32
        %parallel_loop3A_130 = vector.broadcast %parallel_loop3A_129 : i32 to vector<16xi32>
        %parallel_loop3A_131 = arith.andi %parallel_loop3A_121, %parallel_loop3A_130 : vector<16xi32>
        %parallel_loop3A_132 = vector.broadcast %mul3A_31 : i32 to vector<16xi32>
        %parallel_loop3A_133 = arith.addi %parallel_loop3A_131, %parallel_loop3A_132 : vector<16xi32>
        %parallel_loop3A_134 = arith.constant 16 : i32
        %parallel_loop3A_135 = arith.muli %parallel_loop3A_41, %parallel_loop3A_134 : i32
        %parallel_loop3A_136 = arith.constant 0 : i32
        %parallel_loop3A_137 = arith.addi %parallel_loop3A_136, %parallel_loop3A_135 : i32
        %parallel_loop3A_138 = arith.index_cast %parallel_loop3A_137 : i32 to index
        %parallel_loop3A_139 = tpu.vector_load %arg11[%parallel_loop3A_138] {strides = array<i32>} : memref<4096xi32, #tpu.memory_space<vmem>>, vector<16xi32>,
        tpu.vector_store %arg11[%parallel_loop3A_138], %parallel_loop3A_133 {strides = array<i32>} : memref<4096xi32, #tpu.memory_space<vmem>>, vector<16xi32>,
        %parallel_loop3A_140 = arith.constant 524287 : i32
        %parallel_loop3A_141 = vector.broadcast %parallel_loop3A_140 : i32 to vector<16xi32>
        %parallel_loop3A_142 = arith.andi %parallel_loop3A_122, %parallel_loop3A_141 : vector<16xi32>
        %parallel_loop3A_143 = vector.broadcast %mul3A_31 : i32 to vector<16xi32>
        %parallel_loop3A_144 = arith.addi %parallel_loop3A_142, %parallel_loop3A_143 : vector<16xi32>
        %parallel_loop3A_145 = arith.constant 16 : i32
        %parallel_loop3A_146 = arith.muli %parallel_loop3A_41, %parallel_loop3A_145 : i32
        %parallel_loop3A_147 = arith.constant 512 : i32
        %parallel_loop3A_148 = arith.addi %parallel_loop3A_147, %parallel_loop3A_146 : i32
        %parallel_loop3A_149 = arith.index_cast %parallel_loop3A_148 : i32 to index
        %parallel_loop3A_150 = tpu.vector_load %arg11[%parallel_loop3A_149] {strides = array<i32>} : memref<4096xi32, #tpu.memory_space<vmem>>, vector<16xi32>,
        tpu.vector_store %arg11[%parallel_loop3A_149], %parallel_loop3A_144 {strides = array<i32>} : memref<4096xi32, #tpu.memory_space<vmem>>, vector<16xi32>,
        %parallel_loop3A_151 = arith.constant 524287 : i32
        %parallel_loop3A_152 = vector.broadcast %parallel_loop3A_151 : i32 to vector<16xi32>
        %parallel_loop3A_153 = arith.andi %parallel_loop3A_123, %parallel_loop3A_152 : vector<16xi32>
        %parallel_loop3A_154 = vector.broadcast %mul3A_31 : i32 to vector<16xi32>
        %parallel_loop3A_155 = arith.addi %parallel_loop3A_153, %parallel_loop3A_154 : vector<16xi32>
        %parallel_loop3A_156 = arith.constant 16 : i32
        %parallel_loop3A_157 = arith.muli %parallel_loop3A_41, %parallel_loop3A_156 : i32
        %parallel_loop3A_158 = arith.constant 1024 : i32
        %parallel_loop3A_159 = arith.addi %parallel_loop3A_158, %parallel_loop3A_157 : i32
        %parallel_loop3A_160 = arith.index_cast %parallel_loop3A_159 : i32 to index
        %parallel_loop3A_161 = tpu.vector_load %arg11[%parallel_loop3A_160] {strides = array<i32>} : memref<4096xi32, #tpu.memory_space<vmem>>, vector<16xi32>,
        tpu.vector_store %arg11[%parallel_loop3A_160], %parallel_loop3A_155 {strides = array<i32>} : memref<4096xi32, #tpu.memory_space<vmem>>, vector<16xi32>,
        %parallel_loop3A_162 = arith.constant 524287 : i32
        %parallel_loop3A_163 = vector.broadcast %parallel_loop3A_162 : i32 to vector<16xi32>
        %parallel_loop3A_164 = arith.andi %parallel_loop3A_124, %parallel_loop3A_163 : vector<16xi32>
        %parallel_loop3A_165 = vector.broadcast %mul3A_31 : i32 to vector<16xi32>
        %parallel_loop3A_166 = arith.addi %parallel_loop3A_164, %parallel_loop3A_165 : vector<16xi32>
        %parallel_loop3A_167 = arith.constant 16 : i32
        %parallel_loop3A_168 = arith.muli %parallel_loop3A_41, %parallel_loop3A_167 : i32
        %parallel_loop3A_169 = arith.constant 1536 : i32
        %parallel_loop3A_170 = arith.addi %parallel_loop3A_169, %parallel_loop3A_168 : i32
        %parallel_loop3A_171 = arith.index_cast %parallel_loop3A_170 : i32 to index
        %parallel_loop3A_172 = tpu.vector_load %arg11[%parallel_loop3A_171] {strides = array<i32>} : memref<4096xi32, #tpu.memory_space<vmem>>, vector<16xi32>,
        tpu.vector_store %arg11[%parallel_loop3A_171], %parallel_loop3A_166 {strides = array<i32>} : memref<4096xi32, #tpu.memory_space<vmem>>, vector<16xi32>,
        %parallel_loop3A_173 = arith.constant 524287 : i32
        %parallel_loop3A_174 = vector.broadcast %parallel_loop3A_173 : i32 to vector<16xi32>
        %parallel_loop3A_175 = arith.andi %parallel_loop3A_125, %parallel_loop3A_174 : vector<16xi32>
        %parallel_loop3A_176 = vector.broadcast %mul3A_31 : i32 to vector<16xi32>
        %parallel_loop3A_177 = arith.addi %parallel_loop3A_175, %parallel_loop3A_176 : vector<16xi32>
        %parallel_loop3A_178 = arith.constant 16 : i32
        %parallel_loop3A_179 = arith.muli %parallel_loop3A_41, %parallel_loop3A_178 : i32
        %parallel_loop3A_180 = arith.constant 2048 : i32
        %parallel_loop3A_181 = arith.addi %parallel_loop3A_180, %parallel_loop3A_179 : i32
        %parallel_loop3A_182 = arith.index_cast %parallel_loop3A_181 : i32 to index
        %parallel_loop3A_183 = tpu.vector_load %arg11[%parallel_loop3A_182] {strides = array<i32>} : memref<4096xi32, #tpu.memory_space<vmem>>, vector<16xi32>,
        tpu.vector_store %arg11[%parallel_loop3A_182], %parallel_loop3A_177 {strides = array<i32>} : memref<4096xi32, #tpu.memory_space<vmem>>, vector<16xi32>,
        %parallel_loop3A_184 = arith.constant 524287 : i32
        %parallel_loop3A_185 = vector.broadcast %parallel_loop3A_184 : i32 to vector<16xi32>
        %parallel_loop3A_186 = arith.andi %parallel_loop3A_126, %parallel_loop3A_185 : vector<16xi32>
        %parallel_loop3A_187 = vector.broadcast %mul3A_31 : i32 to vector<16xi32>
        %parallel_loop3A_188 = arith.addi %parallel_loop3A_186, %parallel_loop3A_187 : vector<16xi32>
        %parallel_loop3A_189 = arith.constant 16 : i32
        %parallel_loop3A_190 = arith.muli %parallel_loop3A_41, %parallel_loop3A_189 : i32
        %parallel_loop3A_191 = arith.constant 2560 : i32
        %parallel_loop3A_192 = arith.addi %parallel_loop3A_191, %parallel_loop3A_190 : i32
        %parallel_loop3A_193 = arith.index_cast %parallel_loop3A_192 : i32 to index
        %parallel_loop3A_194 = tpu.vector_load %arg11[%parallel_loop3A_193] {strides = array<i32>} : memref<4096xi32, #tpu.memory_space<vmem>>, vector<16xi32>,
        tpu.vector_store %arg11[%parallel_loop3A_193], %parallel_loop3A_188 {strides = array<i32>} : memref<4096xi32, #tpu.memory_space<vmem>>, vector<16xi32>,
        %parallel_loop3A_195 = arith.constant 524287 : i32
        %parallel_loop3A_196 = vector.broadcast %parallel_loop3A_195 : i32 to vector<16xi32>
        %parallel_loop3A_197 = arith.andi %parallel_loop3A_127, %parallel_loop3A_196 : vector<16xi32>
        %parallel_loop3A_198 = vector.broadcast %mul3A_31 : i32 to vector<16xi32>
        %parallel_loop3A_199 = arith.addi %parallel_loop3A_197, %parallel_loop3A_198 : vector<16xi32>
        %parallel_loop3A_200 = arith.constant 16 : i32
        %parallel_loop3A_201 = arith.muli %parallel_loop3A_41, %parallel_loop3A_200 : i32
        %parallel_loop3A_202 = arith.constant 3072 : i32
        %parallel_loop3A_203 = arith.addi %parallel_loop3A_202, %parallel_loop3A_201 : i32
        %parallel_loop3A_204 = arith.index_cast %parallel_loop3A_203 : i32 to index
        %parallel_loop3A_205 = tpu.vector_load %arg11[%parallel_loop3A_204] {strides = array<i32>} : memref<4096xi32, #tpu.memory_space<vmem>>, vector<16xi32>,
        tpu.vector_store %arg11[%parallel_loop3A_204], %parallel_loop3A_199 {strides = array<i32>} : memref<4096xi32, #tpu.memory_space<vmem>>, vector<16xi32>,
        %parallel_loop3A_206 = arith.constant 524287 : i32
        %parallel_loop3A_207 = vector.broadcast %parallel_loop3A_206 : i32 to vector<16xi32>
        %parallel_loop3A_208 = arith.andi %parallel_loop3A_128, %parallel_loop3A_207 : vector<16xi32>
        %parallel_loop3A_209 = vector.broadcast %mul3A_31 : i32 to vector<16xi32>
        %parallel_loop3A_210 = arith.addi %parallel_loop3A_208, %parallel_loop3A_209 : vector<16xi32>
        %parallel_loop3A_211 = arith.constant 16 : i32
        %parallel_loop3A_212 = arith.muli %parallel_loop3A_41, %parallel_loop3A_211 : i32
        %parallel_loop3A_213 = arith.constant 3584 : i32
        %parallel_loop3A_214 = arith.addi %parallel_loop3A_213, %parallel_loop3A_212 : i32
        %parallel_loop3A_215 = arith.index_cast %parallel_loop3A_214 : i32 to index
        %parallel_loop3A_216 = tpu.vector_load %arg11[%parallel_loop3A_215] {strides = array<i32>} : memref<4096xi32, #tpu.memory_space<vmem>>, vector<16xi32>,
        tpu.vector_store %arg11[%parallel_loop3A_215], %parallel_loop3A_210 {strides = array<i32>} : memref<4096xi32, #tpu.memory_space<vmem>>, vector<16xi32>,
      } {sc.loop_unroll_factor = 2 : i64, sc.parallel_access}
      %dma_start3A = arith.constant 0 : i32
      %dma_start3A_34 = tpu.memref_slice %arg6[%dma_start3A] : memref<1048576xi32, #tpu.memory_space<vmem_shared>> -> memref<1048576xi32, #tpu.memory_space<vmem_shared>>
      tpu.enqueue_indirect_dma source(%dma_start3A_34 : memref<1048576xi32, #tpu.memory_space<vmem_shared>>) target(%arg13 : memref<4096xi32, #tpu.memory_space<vmem>>) offsets(%arg11 : memref<4096xi32, #tpu.memory_space<vmem>>) semaphore(%arg16 : memref<!tpu.dma_semaphore, #tpu.memory_space<semaphore_mem>>)
      %scan3A_35 = arith.constant 0 : i32
      %scan3A_36 = arith.constant 0 : i32
      %scan3A_37 = arith.constant 4 : i32
      %scan3A_38 = arith.addi %scan3A_36, %scan3A_37 : i32
      %scan3A_39 = arith.constant 1 : i32
      scf.for %scan3A_41 = %scan3A_36 to %scan3A_38 step %scan3A_39  : i32 {
        %mul3A_42 = arith.constant 2 : i32
        %mul3A_43 = arith.muli %mul3A_42, %scan3A_41 : i32
        %add3A_44 = arith.constant 1 : i32
        %add3A_45 = arith.addi %mul3A_43, %add3A_44 : i32
        %mul3A_46 = arith.constant 512 : i32
        %mul3A_47 = arith.muli %add3A_45, %mul3A_46 : i32
        %mul3A_48 = arith.constant 524288 : i32
        %mul3A_49 = arith.muli %and3A_17, %mul3A_48 : i32
        %parallel_loop3A_50 = arith.constant 0 : i32
        %parallel_loop3A_51 = arith.constant 32 : i32
        %parallel_loop3A_52 = arith.constant 1 : i32
        scf.for %parallel_loop3A_81 = %parallel_loop3A_50 to %parallel_loop3A_51 step %parallel_loop3A_52  : i32 {
          %parallel_loop3A_82 = arith.constant 16 : i32
          %parallel_loop3A_83 = arith.muli %parallel_loop3A_81, %parallel_loop3A_82 : i32
          %parallel_loop3A_84 = arith.addi %mul3A_47, %parallel_loop3A_83 : i32
          %parallel_loop3A_85 = arith.index_cast %parallel_loop3A_84 : i32 to index
          %parallel_loop3A_86 = tpu.vector_load %arg7[%parallel_loop3A_85] {strides = array<i32>} : memref<12288xf32, #tpu.memory_space<vmem>>, vector<16xf32>,
          %parallel_loop3A_87 = arith.constant 4096 : i32
          %parallel_loop3A_88 = arith.addi %parallel_loop3A_87, %parallel_loop3A_84 : i32
          %parallel_loop3A_89 = arith.index_cast %parallel_loop3A_88 : i32 to index
          %parallel_loop3A_90 = tpu.vector_load %arg7[%parallel_loop3A_89] {strides = array<i32>} : memref<12288xf32, #tpu.memory_space<vmem>>, vector<16xf32>,
          %parallel_loop3A_91 = arith.constant 8192 : i32
          %parallel_loop3A_92 = arith.addi %parallel_loop3A_91, %parallel_loop3A_84 : i32
          %parallel_loop3A_93 = arith.index_cast %parallel_loop3A_92 : i32 to index
          %parallel_loop3A_94 = tpu.vector_load %arg7[%parallel_loop3A_93] {strides = array<i32>} : memref<12288xf32, #tpu.memory_space<vmem>>, vector<16xf32>,
          %parallel_loop3A_95 = arith.constant 16 : i32
          %parallel_loop3A_96 = arith.muli %scan3A_16, %parallel_loop3A_95 : i32
          %parallel_loop3A_97 = arith.index_cast %parallel_loop3A_96 : i32 to index
          %parallel_loop3A_98 = tpu.vector_load %arg8[%parallel_loop3A_97] {strides = array<i32>} : memref<256xf32, #tpu.memory_space<vmem>>, vector<16xf32>,
          %parallel_loop3A_99 = arith.mulf %parallel_loop3A_86, %parallel_loop3A_98 : vector<16xf32>
          %parallel_loop3A_100 = arith.mulf %parallel_loop3A_90, %parallel_loop3A_98 : vector<16xf32>
          %parallel_loop3A_101 = arith.mulf %parallel_loop3A_94, %parallel_loop3A_98 : vector<16xf32>
          %parallel_loop3A_102 = arith.fptosi %parallel_loop3A_99 : vector<16xf32> to vector<16xi32>
          %parallel_loop3A_103 = arith.fptosi %parallel_loop3A_100 : vector<16xf32> to vector<16xi32>
          %parallel_loop3A_104 = arith.fptosi %parallel_loop3A_101 : vector<16xf32> to vector<16xi32>
          %parallel_loop3A_105 = arith.sitofp %parallel_loop3A_102 : vector<16xi32> to vector<16xf32>
          %parallel_loop3A_106 = arith.sitofp %parallel_loop3A_103 : vector<16xi32> to vector<16xf32>
          %parallel_loop3A_107 = arith.sitofp %parallel_loop3A_104 : vector<16xi32> to vector<16xf32>
          %parallel_loop3A_108 = arith.cmpf ogt, %parallel_loop3A_99, %parallel_loop3A_105 : vector<16xf32>
          %parallel_loop3A_109 = arith.constant 1 : i32
          %parallel_loop3A_110 = vector.broadcast %parallel_loop3A_109 : i32 to vector<16xi32>
          %parallel_loop3A_111 = arith.addi %parallel_loop3A_102, %parallel_loop3A_110 : vector<16xi32>
          %parallel_loop3A_112 = arith.select %parallel_loop3A_108, %parallel_loop3A_111, %parallel_loop3A_102 : vector<16xi1>, vector<16xi32>
          %parallel_loop3A_113 = arith.cmpf ogt, %parallel_loop3A_100, %parallel_loop3A_106 : vector<16xf32>
          %parallel_loop3A_114 = arith.constant 1 : i32
          %parallel_loop3A_115 = vector.broadcast %parallel_loop3A_114 : i32 to vector<16xi32>
          %parallel_loop3A_116 = arith.addi %parallel_loop3A_103, %parallel_loop3A_115 : vector<16xi32>
          %parallel_loop3A_117 = arith.select %parallel_loop3A_113, %parallel_loop3A_116, %parallel_loop3A_103 : vector<16xi1>, vector<16xi32>
          %parallel_loop3A_118 = arith.cmpf ogt, %parallel_loop3A_101, %parallel_loop3A_107 : vector<16xf32>
          %parallel_loop3A_119 = arith.constant 1 : i32
          %parallel_loop3A_120 = vector.broadcast %parallel_loop3A_119 : i32 to vector<16xi32>
          %parallel_loop3A_121 = arith.addi %parallel_loop3A_104, %parallel_loop3A_120 : vector<16xi32>
          %parallel_loop3A_122 = arith.select %parallel_loop3A_118, %parallel_loop3A_121, %parallel_loop3A_104 : vector<16xi1>, vector<16xi32>
          %parallel_loop3A_123 = arith.subf %parallel_loop3A_99, %parallel_loop3A_105 : vector<16xf32>
          %parallel_loop3A_124 = arith.constant 16 : i32
          %parallel_loop3A_125 = arith.muli %parallel_loop3A_81, %parallel_loop3A_124 : i32
          %parallel_loop3A_126 = arith.constant 0 : i32
          %parallel_loop3A_127 = arith.addi %parallel_loop3A_126, %parallel_loop3A_125 : i32
          %parallel_loop3A_128 = arith.index_cast %parallel_loop3A_127 : i32 to index
          %parallel_loop3A_129 = tpu.vector_load %arg10[%parallel_loop3A_128] {strides = array<i32>} : memref<1536xf32, #tpu.memory_space<vmem>>, vector<16xf32>,
          tpu.vector_store %arg10[%parallel_loop3A_128], %parallel_loop3A_123 {strides = array<i32>} : memref<1536xf32, #tpu.memory_space<vmem>>, vector<16xf32>,
          %parallel_loop3A_130 = arith.subf %parallel_loop3A_100, %parallel_loop3A_106 : vector<16xf32>
          %parallel_loop3A_131 = arith.constant 16 : i32
          %parallel_loop3A_132 = arith.muli %parallel_loop3A_81, %parallel_loop3A_131 : i32
          %parallel_loop3A_133 = arith.constant 512 : i32
          %parallel_loop3A_134 = arith.addi %parallel_loop3A_133, %parallel_loop3A_132 : i32
          %parallel_loop3A_135 = arith.index_cast %parallel_loop3A_134 : i32 to index
          %parallel_loop3A_136 = tpu.vector_load %arg10[%parallel_loop3A_135] {strides = array<i32>} : memref<1536xf32, #tpu.memory_space<vmem>>, vector<16xf32>,
          tpu.vector_store %arg10[%parallel_loop3A_135], %parallel_loop3A_130 {strides = array<i32>} : memref<1536xf32, #tpu.memory_space<vmem>>, vector<16xf32>,
          %parallel_loop3A_137 = arith.subf %parallel_loop3A_101, %parallel_loop3A_107 : vector<16xf32>
          %parallel_loop3A_138 = arith.constant 16 : i32
          %parallel_loop3A_139 = arith.muli %parallel_loop3A_81, %parallel_loop3A_138 : i32
          %parallel_loop3A_140 = arith.constant 1024 : i32
          %parallel_loop3A_141 = arith.addi %parallel_loop3A_140, %parallel_loop3A_139 : i32
          %parallel_loop3A_142 = arith.index_cast %parallel_loop3A_141 : i32 to index
          %parallel_loop3A_143 = tpu.vector_load %arg10[%parallel_loop3A_142] {strides = array<i32>} : memref<1536xf32, #tpu.memory_space<vmem>>, vector<16xf32>,
          tpu.vector_store %arg10[%parallel_loop3A_142], %parallel_loop3A_137 {strides = array<i32>} : memref<1536xf32, #tpu.memory_space<vmem>>, vector<16xf32>,
          %parallel_loop3A_144 = arith.constant -1640531535 : i32
          %parallel_loop3A_145 = vector.broadcast %parallel_loop3A_144 : i32 to vector<16xi32>
          %parallel_loop3A_146 = arith.muli %parallel_loop3A_117, %parallel_loop3A_145 : vector<16xi32>
          %parallel_loop3A_147 = arith.constant -1640531535 : i32
          %parallel_loop3A_148 = vector.broadcast %parallel_loop3A_147 : i32 to vector<16xi32>
          %parallel_loop3A_149 = arith.muli %parallel_loop3A_103, %parallel_loop3A_148 : vector<16xi32>
          %parallel_loop3A_150 = arith.constant 805459861 : i32
          %parallel_loop3A_151 = vector.broadcast %parallel_loop3A_150 : i32 to vector<16xi32>
          %parallel_loop3A_152 = arith.muli %parallel_loop3A_122, %parallel_loop3A_151 : vector<16xi32>
          %parallel_loop3A_153 = arith.constant 805459861 : i32
          %parallel_loop3A_154 = vector.broadcast %parallel_loop3A_153 : i32 to vector<16xi32>
          %parallel_loop3A_155 = arith.muli %parallel_loop3A_104, %parallel_loop3A_154 : vector<16xi32>
          %parallel_loop3A_156 = arith.xori %parallel_loop3A_112, %parallel_loop3A_146 : vector<16xi32>
          %parallel_loop3A_157 = arith.xori %parallel_loop3A_112, %parallel_loop3A_149 : vector<16xi32>
          %parallel_loop3A_158 = arith.xori %parallel_loop3A_102, %parallel_loop3A_146 : vector<16xi32>
          %parallel_loop3A_159 = arith.xori %parallel_loop3A_102, %parallel_loop3A_149 : vector<16xi32>
          %parallel_loop3A_160 = arith.xori %parallel_loop3A_156, %parallel_loop3A_152 : vector<16xi32>
          %parallel_loop3A_161 = arith.xori %parallel_loop3A_156, %parallel_loop3A_155 : vector<16xi32>
          %parallel_loop3A_162 = arith.xori %parallel_loop3A_157, %parallel_loop3A_152 : vector<16xi32>
          %parallel_loop3A_163 = arith.xori %parallel_loop3A_158, %parallel_loop3A_152 : vector<16xi32>
          %parallel_loop3A_164 = arith.xori %parallel_loop3A_157, %parallel_loop3A_155 : vector<16xi32>
          %parallel_loop3A_165 = arith.xori %parallel_loop3A_158, %parallel_loop3A_155 : vector<16xi32>
          %parallel_loop3A_166 = arith.xori %parallel_loop3A_159, %parallel_loop3A_152 : vector<16xi32>
          %parallel_loop3A_167 = arith.xori %parallel_loop3A_159, %parallel_loop3A_155 : vector<16xi32>
          %parallel_loop3A_168 = arith.constant 524287 : i32
          %parallel_loop3A_169 = vector.broadcast %parallel_loop3A_168 : i32 to vector<16xi32>
          %parallel_loop3A_170 = arith.andi %parallel_loop3A_160, %parallel_loop3A_169 : vector<16xi32>
          %parallel_loop3A_171 = vector.broadcast %mul3A_49 : i32 to vector<16xi32>
          %parallel_loop3A_172 = arith.addi %parallel_loop3A_170, %parallel_loop3A_171 : vector<16xi32>
          %parallel_loop3A_173 = arith.constant 16 : i32
          %parallel_loop3A_174 = arith.muli %parallel_loop3A_81, %parallel_loop3A_173 : i32
          %parallel_loop3A_175 = arith.constant 0 : i32
          %parallel_loop3A_176 = arith.addi %parallel_loop3A_175, %parallel_loop3A_174 : i32
          %parallel_loop3A_177 = arith.index_cast %parallel_loop3A_176 : i32 to index
          %parallel_loop3A_178 = tpu.vector_load %arg12[%parallel_loop3A_177] {strides = array<i32>} : memref<4096xi32, #tpu.memory_space<vmem>>, vector<16xi32>,
          tpu.vector_store %arg12[%parallel_loop3A_177], %parallel_loop3A_172 {strides = array<i32>} : memref<4096xi32, #tpu.memory_space<vmem>>, vector<16xi32>,
          %parallel_loop3A_179 = arith.constant 524287 : i32
          %parallel_loop3A_180 = vector.broadcast %parallel_loop3A_179 : i32 to vector<16xi32>
          %parallel_loop3A_181 = arith.andi %parallel_loop3A_161, %parallel_loop3A_180 : vector<16xi32>
          %parallel_loop3A_182 = vector.broadcast %mul3A_49 : i32 to vector<16xi32>
          %parallel_loop3A_183 = arith.addi %parallel_loop3A_181, %parallel_loop3A_182 : vector<16xi32>
          %parallel_loop3A_184 = arith.constant 16 : i32
          %parallel_loop3A_185 = arith.muli %parallel_loop3A_81, %parallel_loop3A_184 : i32
          %parallel_loop3A_186 = arith.constant 512 : i32
          %parallel_loop3A_187 = arith.addi %parallel_loop3A_186, %parallel_loop3A_185 : i32
          %parallel_loop3A_188 = arith.index_cast %parallel_loop3A_187 : i32 to index
          %parallel_loop3A_189 = tpu.vector_load %arg12[%parallel_loop3A_188] {strides = array<i32>} : memref<4096xi32, #tpu.memory_space<vmem>>, vector<16xi32>,
          tpu.vector_store %arg12[%parallel_loop3A_188], %parallel_loop3A_183 {strides = array<i32>} : memref<4096xi32, #tpu.memory_space<vmem>>, vector<16xi32>,
          %parallel_loop3A_190 = arith.constant 524287 : i32
          %parallel_loop3A_191 = vector.broadcast %parallel_loop3A_190 : i32 to vector<16xi32>
          %parallel_loop3A_192 = arith.andi %parallel_loop3A_162, %parallel_loop3A_191 : vector<16xi32>
          %parallel_loop3A_193 = vector.broadcast %mul3A_49 : i32 to vector<16xi32>
          %parallel_loop3A_194 = arith.addi %parallel_loop3A_192, %parallel_loop3A_193 : vector<16xi32>
          %parallel_loop3A_195 = arith.constant 16 : i32
          %parallel_loop3A_196 = arith.muli %parallel_loop3A_81, %parallel_loop3A_195 : i32
          %parallel_loop3A_197 = arith.constant 1024 : i32
          %parallel_loop3A_198 = arith.addi %parallel_loop3A_197, %parallel_loop3A_196 : i32
          %parallel_loop3A_199 = arith.index_cast %parallel_loop3A_198 : i32 to index
          %parallel_loop3A_200 = tpu.vector_load %arg12[%parallel_loop3A_199] {strides = array<i32>} : memref<4096xi32, #tpu.memory_space<vmem>>, vector<16xi32>,
          tpu.vector_store %arg12[%parallel_loop3A_199], %parallel_loop3A_194 {strides = array<i32>} : memref<4096xi32, #tpu.memory_space<vmem>>, vector<16xi32>,
          %parallel_loop3A_201 = arith.constant 524287 : i32
          %parallel_loop3A_202 = vector.broadcast %parallel_loop3A_201 : i32 to vector<16xi32>
          %parallel_loop3A_203 = arith.andi %parallel_loop3A_163, %parallel_loop3A_202 : vector<16xi32>
          %parallel_loop3A_204 = vector.broadcast %mul3A_49 : i32 to vector<16xi32>
          %parallel_loop3A_205 = arith.addi %parallel_loop3A_203, %parallel_loop3A_204 : vector<16xi32>
          %parallel_loop3A_206 = arith.constant 16 : i32
          %parallel_loop3A_207 = arith.muli %parallel_loop3A_81, %parallel_loop3A_206 : i32
          %parallel_loop3A_208 = arith.constant 1536 : i32
          %parallel_loop3A_209 = arith.addi %parallel_loop3A_208, %parallel_loop3A_207 : i32
          %parallel_loop3A_210 = arith.index_cast %parallel_loop3A_209 : i32 to index
          %parallel_loop3A_211 = tpu.vector_load %arg12[%parallel_loop3A_210] {strides = array<i32>} : memref<4096xi32, #tpu.memory_space<vmem>>, vector<16xi32>,
          tpu.vector_store %arg12[%parallel_loop3A_210], %parallel_loop3A_205 {strides = array<i32>} : memref<4096xi32, #tpu.memory_space<vmem>>, vector<16xi32>,
          %parallel_loop3A_212 = arith.constant 524287 : i32
          %parallel_loop3A_213 = vector.broadcast %parallel_loop3A_212 : i32 to vector<16xi32>
          %parallel_loop3A_214 = arith.andi %parallel_loop3A_164, %parallel_loop3A_213 : vector<16xi32>
          %parallel_loop3A_215 = vector.broadcast %mul3A_49 : i32 to vector<16xi32>
          %parallel_loop3A_216 = arith.addi %parallel_loop3A_214, %parallel_loop3A_215 : vector<16xi32>
          %parallel_loop3A_217 = arith.constant 16 : i32
          %parallel_loop3A_218 = arith.muli %parallel_loop3A_81, %parallel_loop3A_217 : i32
          %parallel_loop3A_219 = arith.constant 2048 : i32
          %parallel_loop3A_220 = arith.addi %parallel_loop3A_219, %parallel_loop3A_218 : i32
          %parallel_loop3A_221 = arith.index_cast %parallel_loop3A_220 : i32 to index
          %parallel_loop3A_222 = tpu.vector_load %arg12[%parallel_loop3A_221] {strides = array<i32>} : memref<4096xi32, #tpu.memory_space<vmem>>, vector<16xi32>,
          tpu.vector_store %arg12[%parallel_loop3A_221], %parallel_loop3A_216 {strides = array<i32>} : memref<4096xi32, #tpu.memory_space<vmem>>, vector<16xi32>,
          %parallel_loop3A_223 = arith.constant 524287 : i32
          %parallel_loop3A_224 = vector.broadcast %parallel_loop3A_223 : i32 to vector<16xi32>
          %parallel_loop3A_225 = arith.andi %parallel_loop3A_165, %parallel_loop3A_224 : vector<16xi32>
          %parallel_loop3A_226 = vector.broadcast %mul3A_49 : i32 to vector<16xi32>
          %parallel_loop3A_227 = arith.addi %parallel_loop3A_225, %parallel_loop3A_226 : vector<16xi32>
          %parallel_loop3A_228 = arith.constant 16 : i32
          %parallel_loop3A_229 = arith.muli %parallel_loop3A_81, %parallel_loop3A_228 : i32
          %parallel_loop3A_230 = arith.constant 2560 : i32
          %parallel_loop3A_231 = arith.addi %parallel_loop3A_230, %parallel_loop3A_229 : i32
          %parallel_loop3A_232 = arith.index_cast %parallel_loop3A_231 : i32 to index
          %parallel_loop3A_233 = tpu.vector_load %arg12[%parallel_loop3A_232] {strides = array<i32>} : memref<4096xi32, #tpu.memory_space<vmem>>, vector<16xi32>,
          tpu.vector_store %arg12[%parallel_loop3A_232], %parallel_loop3A_227 {strides = array<i32>} : memref<4096xi32, #tpu.memory_space<vmem>>, vector<16xi32>,
          %parallel_loop3A_234 = arith.constant 524287 : i32
          %parallel_loop3A_235 = vector.broadcast %parallel_loop3A_234 : i32 to vector<16xi32>
          %parallel_loop3A_236 = arith.andi %parallel_loop3A_166, %parallel_loop3A_235 : vector<16xi32>
          %parallel_loop3A_237 = vector.broadcast %mul3A_49 : i32 to vector<16xi32>
          %parallel_loop3A_238 = arith.addi %parallel_loop3A_236, %parallel_loop3A_237 : vector<16xi32>
          %parallel_loop3A_239 = arith.constant 16 : i32
          %parallel_loop3A_240 = arith.muli %parallel_loop3A_81, %parallel_loop3A_239 : i32
          %parallel_loop3A_241 = arith.constant 3072 : i32
          %parallel_loop3A_242 = arith.addi %parallel_loop3A_241, %parallel_loop3A_240 : i32
          %parallel_loop3A_243 = arith.index_cast %parallel_loop3A_242 : i32 to index
          %parallel_loop3A_244 = tpu.vector_load %arg12[%parallel_loop3A_243] {strides = array<i32>} : memref<4096xi32, #tpu.memory_space<vmem>>, vector<16xi32>,
          tpu.vector_store %arg12[%parallel_loop3A_243], %parallel_loop3A_238 {strides = array<i32>} : memref<4096xi32, #tpu.memory_space<vmem>>, vector<16xi32>,
          %parallel_loop3A_245 = arith.constant 524287 : i32
          %parallel_loop3A_246 = vector.broadcast %parallel_loop3A_245 : i32 to vector<16xi32>
          %parallel_loop3A_247 = arith.andi %parallel_loop3A_167, %parallel_loop3A_246 : vector<16xi32>
          %parallel_loop3A_248 = vector.broadcast %mul3A_49 : i32 to vector<16xi32>
          %parallel_loop3A_249 = arith.addi %parallel_loop3A_247, %parallel_loop3A_248 : vector<16xi32>
          %parallel_loop3A_250 = arith.constant 16 : i32
          %parallel_loop3A_251 = arith.muli %parallel_loop3A_81, %parallel_loop3A_250 : i32
          %parallel_loop3A_252 = arith.constant 3584 : i32
          %parallel_loop3A_253 = arith.addi %parallel_loop3A_252, %parallel_loop3A_251 : i32
          %parallel_loop3A_254 = arith.index_cast %parallel_loop3A_253 : i32 to index
          %parallel_loop3A_255 = tpu.vector_load %arg12[%parallel_loop3A_254] {strides = array<i32>} : memref<4096xi32, #tpu.memory_space<vmem>>, vector<16xi32>,
          tpu.vector_store %arg12[%parallel_loop3A_254], %parallel_loop3A_249 {strides = array<i32>} : memref<4096xi32, #tpu.memory_space<vmem>>, vector<16xi32>,
        } {sc.loop_unroll_factor = 2 : i64, sc.parallel_access}
        %dma_start3A_53 = arith.constant 0 : i32
        %dma_start3A_54 = tpu.memref_slice %arg6[%dma_start3A_53] : memref<1048576xi32, #tpu.memory_space<vmem_shared>> -> memref<1048576xi32, #tpu.memory_space<vmem_shared>>
        tpu.enqueue_indirect_dma source(%dma_start3A_54 : memref<1048576xi32, #tpu.memory_space<vmem_shared>>) target(%arg14 : memref<4096xi32, #tpu.memory_space<vmem>>) offsets(%arg12 : memref<4096xi32, #tpu.memory_space<vmem>>) semaphore(%arg17 : memref<!tpu.dma_semaphore, #tpu.memory_space<semaphore_mem>>)
        %dma_wait3A = arith.constant 0 : i32
        %dma_wait3A_55 = tpu.memref_slice %arg6[%dma_wait3A] : memref<1048576xi32, #tpu.memory_space<vmem_shared>> -> memref<1048576xi32, #tpu.memory_space<vmem_shared>>
        tpu.wait_indirect_dma semaphore(%arg16 : memref<!tpu.dma_semaphore, #tpu.memory_space<semaphore_mem>>) src(%dma_wait3A_55 : memref<1048576xi32, #tpu.memory_space<vmem_shared>>) dst(%arg13 : memref<4096xi32, #tpu.memory_space<vmem>>)
        %parallel_loop3A_56 = arith.constant 0 : i32
        %parallel_loop3A_57 = arith.constant 32 : i32
        %parallel_loop3A_58 = arith.constant 1 : i32
        scf.for %parallel_loop3A_81 = %parallel_loop3A_56 to %parallel_loop3A_57 step %parallel_loop3A_58  : i32 {
          %parallel_loop3A_82 = arith.constant 16 : i32
          %parallel_loop3A_83 = arith.muli %parallel_loop3A_81, %parallel_loop3A_82 : i32
          %parallel_loop3A_84 = arith.constant 0 : i32
          %parallel_loop3A_85 = arith.addi %parallel_loop3A_84, %parallel_loop3A_83 : i32
          %parallel_loop3A_86 = arith.index_cast %parallel_loop3A_85 : i32 to index
          %parallel_loop3A_87 = tpu.vector_load %arg9[%parallel_loop3A_86] {strides = array<i32>} : memref<1536xf32, #tpu.memory_space<vmem>>, vector<16xf32>,
          %parallel_loop3A_88 = arith.constant 16 : i32
          %parallel_loop3A_89 = arith.muli %parallel_loop3A_81, %parallel_loop3A_88 : i32
          %parallel_loop3A_90 = arith.constant 512 : i32
          %parallel_loop3A_91 = arith.addi %parallel_loop3A_90, %parallel_loop3A_89 : i32
          %parallel_loop3A_92 = arith.index_cast %parallel_loop3A_91 : i32 to index
          %parallel_loop3A_93 = tpu.vector_load %arg9[%parallel_loop3A_92] {strides = array<i32>} : memref<1536xf32, #tpu.memory_space<vmem>>, vector<16xf32>,
          %parallel_loop3A_94 = arith.constant 16 : i32
          %parallel_loop3A_95 = arith.muli %parallel_loop3A_81, %parallel_loop3A_94 : i32
          %parallel_loop3A_96 = arith.constant 1024 : i32
          %parallel_loop3A_97 = arith.addi %parallel_loop3A_96, %parallel_loop3A_95 : i32
          %parallel_loop3A_98 = arith.index_cast %parallel_loop3A_97 : i32 to index
          %parallel_loop3A_99 = tpu.vector_load %arg9[%parallel_loop3A_98] {strides = array<i32>} : memref<1536xf32, #tpu.memory_space<vmem>>, vector<16xf32>,
          %parallel_loop3A_100 = arith.constant 16 : i32
          %parallel_loop3A_101 = arith.muli %parallel_loop3A_81, %parallel_loop3A_100 : i32
          %parallel_loop3A_102 = arith.constant 0 : i32
          %parallel_loop3A_103 = arith.addi %parallel_loop3A_102, %parallel_loop3A_101 : i32
          %parallel_loop3A_104 = arith.index_cast %parallel_loop3A_103 : i32 to index
          %parallel_loop3A_105 = tpu.vector_load %arg13[%parallel_loop3A_104] {strides = array<i32>} : memref<4096xi32, #tpu.memory_space<vmem>>, vector<16xi32>,
          %parallel_loop3A_106 = arith.constant 16 : i32
          %parallel_loop3A_107 = arith.muli %parallel_loop3A_81, %parallel_loop3A_106 : i32
          %parallel_loop3A_108 = arith.constant 512 : i32
          %parallel_loop3A_109 = arith.addi %parallel_loop3A_108, %parallel_loop3A_107 : i32
          %parallel_loop3A_110 = arith.index_cast %parallel_loop3A_109 : i32 to index
          %parallel_loop3A_111 = tpu.vector_load %arg13[%parallel_loop3A_110] {strides = array<i32>} : memref<4096xi32, #tpu.memory_space<vmem>>, vector<16xi32>,
          %parallel_loop3A_112 = arith.constant 16 : i32
          %parallel_loop3A_113 = arith.muli %parallel_loop3A_81, %parallel_loop3A_112 : i32
          %parallel_loop3A_114 = arith.constant 1024 : i32
          %parallel_loop3A_115 = arith.addi %parallel_loop3A_114, %parallel_loop3A_113 : i32
          %parallel_loop3A_116 = arith.index_cast %parallel_loop3A_115 : i32 to index
          %parallel_loop3A_117 = tpu.vector_load %arg13[%parallel_loop3A_116] {strides = array<i32>} : memref<4096xi32, #tpu.memory_space<vmem>>, vector<16xi32>,
          %parallel_loop3A_118 = arith.constant 16 : i32
          %parallel_loop3A_119 = arith.muli %parallel_loop3A_81, %parallel_loop3A_118 : i32
          %parallel_loop3A_120 = arith.constant 1536 : i32
          %parallel_loop3A_121 = arith.addi %parallel_loop3A_120, %parallel_loop3A_119 : i32
          %parallel_loop3A_122 = arith.index_cast %parallel_loop3A_121 : i32 to index
          %parallel_loop3A_123 = tpu.vector_load %arg13[%parallel_loop3A_122] {strides = array<i32>} : memref<4096xi32, #tpu.memory_space<vmem>>, vector<16xi32>,
          %parallel_loop3A_124 = arith.constant 16 : i32
          %parallel_loop3A_125 = arith.muli %parallel_loop3A_81, %parallel_loop3A_124 : i32
          %parallel_loop3A_126 = arith.constant 2048 : i32
          %parallel_loop3A_127 = arith.addi %parallel_loop3A_126, %parallel_loop3A_125 : i32
          %parallel_loop3A_128 = arith.index_cast %parallel_loop3A_127 : i32 to index
          %parallel_loop3A_129 = tpu.vector_load %arg13[%parallel_loop3A_128] {strides = array<i32>} : memref<4096xi32, #tpu.memory_space<vmem>>, vector<16xi32>,
          %parallel_loop3A_130 = arith.constant 16 : i32
          %parallel_loop3A_131 = arith.muli %parallel_loop3A_81, %parallel_loop3A_130 : i32
          %parallel_loop3A_132 = arith.constant 2560 : i32
          %parallel_loop3A_133 = arith.addi %parallel_loop3A_132, %parallel_loop3A_131 : i32
          %parallel_loop3A_134 = arith.index_cast %parallel_loop3A_133 : i32 to index
          %parallel_loop3A_135 = tpu.vector_load %arg13[%parallel_loop3A_134] {strides = array<i32>} : memref<4096xi32, #tpu.memory_space<vmem>>, vector<16xi32>,
          %parallel_loop3A_136 = arith.constant 16 : i32
          %parallel_loop3A_137 = arith.muli %parallel_loop3A_81, %parallel_loop3A_136 : i32
          %parallel_loop3A_138 = arith.constant 3072 : i32
          %parallel_loop3A_139 = arith.addi %parallel_loop3A_138, %parallel_loop3A_137 : i32
          %parallel_loop3A_140 = arith.index_cast %parallel_loop3A_139 : i32 to index
          %parallel_loop3A_141 = tpu.vector_load %arg13[%parallel_loop3A_140] {strides = array<i32>} : memref<4096xi32, #tpu.memory_space<vmem>>, vector<16xi32>,
          %parallel_loop3A_142 = arith.constant 16 : i32
          %parallel_loop3A_143 = arith.muli %parallel_loop3A_81, %parallel_loop3A_142 : i32
          %parallel_loop3A_144 = arith.constant 3584 : i32
          %parallel_loop3A_145 = arith.addi %parallel_loop3A_144, %parallel_loop3A_143 : i32
          %parallel_loop3A_146 = arith.index_cast %parallel_loop3A_145 : i32 to index
          %parallel_loop3A_147 = tpu.vector_load %arg13[%parallel_loop3A_146] {strides = array<i32>} : memref<4096xi32, #tpu.memory_space<vmem>>, vector<16xi32>,
          %parallel_loop3A_148 = arith.constant 16 : i32
          %parallel_loop3A_149 = vector.broadcast %parallel_loop3A_148 : i32 to vector<16xi32>
          %parallel_loop3A_150 = arith.shli %parallel_loop3A_105, %parallel_loop3A_149 : vector<16xi32>
          %parallel_loop3A_151 = vector.bitcast %parallel_loop3A_150 : vector<16xi32> to vector<16xf32>
          %parallel_loop3A_152 = arith.constant 16 : i32
          %parallel_loop3A_153 = vector.broadcast %parallel_loop3A_152 : i32 to vector<16xi32>
          %parallel_loop3A_154 = arith.shli %parallel_loop3A_111, %parallel_loop3A_153 : vector<16xi32>
          %parallel_loop3A_155 = vector.bitcast %parallel_loop3A_154 : vector<16xi32> to vector<16xf32>
          %parallel_loop3A_156 = arith.constant 16 : i32
          %parallel_loop3A_157 = vector.broadcast %parallel_loop3A_156 : i32 to vector<16xi32>
          %parallel_loop3A_158 = arith.shli %parallel_loop3A_117, %parallel_loop3A_157 : vector<16xi32>
          %parallel_loop3A_159 = vector.bitcast %parallel_loop3A_158 : vector<16xi32> to vector<16xf32>
          %parallel_loop3A_160 = arith.constant 16 : i32
          %parallel_loop3A_161 = vector.broadcast %parallel_loop3A_160 : i32 to vector<16xi32>
          %parallel_loop3A_162 = arith.shli %parallel_loop3A_123, %parallel_loop3A_161 : vector<16xi32>
          %parallel_loop3A_163 = vector.bitcast %parallel_loop3A_162 : vector<16xi32> to vector<16xf32>
          %parallel_loop3A_164 = arith.constant 16 : i32
          %parallel_loop3A_165 = vector.broadcast %parallel_loop3A_164 : i32 to vector<16xi32>
          %parallel_loop3A_166 = arith.shli %parallel_loop3A_129, %parallel_loop3A_165 : vector<16xi32>
          %parallel_loop3A_167 = vector.bitcast %parallel_loop3A_166 : vector<16xi32> to vector<16xf32>
          %parallel_loop3A_168 = arith.constant 16 : i32
          %parallel_loop3A_169 = vector.broadcast %parallel_loop3A_168 : i32 to vector<16xi32>
          %parallel_loop3A_170 = arith.shli %parallel_loop3A_135, %parallel_loop3A_169 : vector<16xi32>
          %parallel_loop3A_171 = vector.bitcast %parallel_loop3A_170 : vector<16xi32> to vector<16xf32>
          %parallel_loop3A_172 = arith.constant 16 : i32
          %parallel_loop3A_173 = vector.broadcast %parallel_loop3A_172 : i32 to vector<16xi32>
          %parallel_loop3A_174 = arith.shli %parallel_loop3A_141, %parallel_loop3A_173 : vector<16xi32>
          %parallel_loop3A_175 = vector.bitcast %parallel_loop3A_174 : vector<16xi32> to vector<16xf32>
          %parallel_loop3A_176 = arith.constant 16 : i32
          %parallel_loop3A_177 = vector.broadcast %parallel_loop3A_176 : i32 to vector<16xi32>
          %parallel_loop3A_178 = arith.shli %parallel_loop3A_147, %parallel_loop3A_177 : vector<16xi32>
          %parallel_loop3A_179 = vector.bitcast %parallel_loop3A_178 : vector<16xi32> to vector<16xf32>
          %parallel_loop3A_180 = arith.subf %parallel_loop3A_151, %parallel_loop3A_163 : vector<16xf32>
          %parallel_loop3A_181 = arith.mulf %parallel_loop3A_87, %parallel_loop3A_180 : vector<16xf32>
          %parallel_loop3A_182 = arith.addf %parallel_loop3A_163, %parallel_loop3A_181 : vector<16xf32>
          %parallel_loop3A_183 = arith.subf %parallel_loop3A_155, %parallel_loop3A_159 : vector<16xf32>
          %parallel_loop3A_184 = arith.mulf %parallel_loop3A_87, %parallel_loop3A_183 : vector<16xf32>
          %parallel_loop3A_185 = arith.addf %parallel_loop3A_159, %parallel_loop3A_184 : vector<16xf32>
          %parallel_loop3A_186 = arith.subf %parallel_loop3A_171, %parallel_loop3A_175 : vector<16xf32>
          %parallel_loop3A_187 = arith.mulf %parallel_loop3A_87, %parallel_loop3A_186 : vector<16xf32>
          %parallel_loop3A_188 = arith.addf %parallel_loop3A_175, %parallel_loop3A_187 : vector<16xf32>
          %parallel_loop3A_189 = arith.subf %parallel_loop3A_167, %parallel_loop3A_179 : vector<16xf32>
          %parallel_loop3A_190 = arith.mulf %parallel_loop3A_87, %parallel_loop3A_189 : vector<16xf32>
          %parallel_loop3A_191 = arith.addf %parallel_loop3A_179, %parallel_loop3A_190 : vector<16xf32>
          %parallel_loop3A_192 = arith.subf %parallel_loop3A_182, %parallel_loop3A_185 : vector<16xf32>
          %parallel_loop3A_193 = arith.mulf %parallel_loop3A_93, %parallel_loop3A_192 : vector<16xf32>
          %parallel_loop3A_194 = arith.addf %parallel_loop3A_185, %parallel_loop3A_193 : vector<16xf32>
          %parallel_loop3A_195 = arith.subf %parallel_loop3A_191, %parallel_loop3A_188 : vector<16xf32>
          %parallel_loop3A_196 = arith.mulf %parallel_loop3A_93, %parallel_loop3A_195 : vector<16xf32>
          %parallel_loop3A_197 = arith.addf %parallel_loop3A_188, %parallel_loop3A_196 : vector<16xf32>
          %parallel_loop3A_198 = arith.subf %parallel_loop3A_194, %parallel_loop3A_197 : vector<16xf32>
          %parallel_loop3A_199 = arith.mulf %parallel_loop3A_99, %parallel_loop3A_198 : vector<16xf32>
          %parallel_loop3A_200 = arith.addf %parallel_loop3A_197, %parallel_loop3A_199 : vector<16xf32>
          %parallel_loop3A_201 = arith.constant 16 : i32
          %parallel_loop3A_202 = arith.muli %parallel_loop3A_81, %parallel_loop3A_201 : i32
          %parallel_loop3A_203 = arith.constant 0 : i32
          %parallel_loop3A_204 = arith.index_cast %parallel_loop3A_203 : i32 to index
          %parallel_loop3A_205 = arith.index_cast %parallel_loop3A_202 : i32 to index
          %parallel_loop3A_206 = tpu.vector_load %arg15[%parallel_loop3A_204, %parallel_loop3A_205] {strides = array<i32>} : memref<2x512xf32, #tpu.memory_space<vmem>>, vector<16xf32>,
          tpu.vector_store %arg15[%parallel_loop3A_204, %parallel_loop3A_205], %parallel_loop3A_200 {strides = array<i32>} : memref<2x512xf32, #tpu.memory_space<vmem>>, vector<16xf32>,
          %parallel_loop3A_207 = arith.constant -65536 : i32
          %parallel_loop3A_208 = vector.broadcast %parallel_loop3A_207 : i32 to vector<16xi32>
          %parallel_loop3A_209 = arith.andi %parallel_loop3A_105, %parallel_loop3A_208 : vector<16xi32>
          %parallel_loop3A_210 = vector.bitcast %parallel_loop3A_209 : vector<16xi32> to vector<16xf32>
          %parallel_loop3A_211 = arith.constant -65536 : i32
          %parallel_loop3A_212 = vector.broadcast %parallel_loop3A_211 : i32 to vector<16xi32>
          %parallel_loop3A_213 = arith.andi %parallel_loop3A_111, %parallel_loop3A_212 : vector<16xi32>
          %parallel_loop3A_214 = vector.bitcast %parallel_loop3A_213 : vector<16xi32> to vector<16xf32>
          %parallel_loop3A_215 = arith.constant -65536 : i32
          %parallel_loop3A_216 = vector.broadcast %parallel_loop3A_215 : i32 to vector<16xi32>
          %parallel_loop3A_217 = arith.andi %parallel_loop3A_117, %parallel_loop3A_216 : vector<16xi32>
          %parallel_loop3A_218 = vector.bitcast %parallel_loop3A_217 : vector<16xi32> to vector<16xf32>
          %parallel_loop3A_219 = arith.constant -65536 : i32
          %parallel_loop3A_220 = vector.broadcast %parallel_loop3A_219 : i32 to vector<16xi32>
          %parallel_loop3A_221 = arith.andi %parallel_loop3A_123, %parallel_loop3A_220 : vector<16xi32>
          %parallel_loop3A_222 = vector.bitcast %parallel_loop3A_221 : vector<16xi32> to vector<16xf32>
          %parallel_loop3A_223 = arith.constant -65536 : i32
          %parallel_loop3A_224 = vector.broadcast %parallel_loop3A_223 : i32 to vector<16xi32>
          %parallel_loop3A_225 = arith.andi %parallel_loop3A_129, %parallel_loop3A_224 : vector<16xi32>
          %parallel_loop3A_226 = vector.bitcast %parallel_loop3A_225 : vector<16xi32> to vector<16xf32>
          %parallel_loop3A_227 = arith.constant -65536 : i32
          %parallel_loop3A_228 = vector.broadcast %parallel_loop3A_227 : i32 to vector<16xi32>
          %parallel_loop3A_229 = arith.andi %parallel_loop3A_135, %parallel_loop3A_228 : vector<16xi32>
          %parallel_loop3A_230 = vector.bitcast %parallel_loop3A_229 : vector<16xi32> to vector<16xf32>
          %parallel_loop3A_231 = arith.constant -65536 : i32
          %parallel_loop3A_232 = vector.broadcast %parallel_loop3A_231 : i32 to vector<16xi32>
          %parallel_loop3A_233 = arith.andi %parallel_loop3A_141, %parallel_loop3A_232 : vector<16xi32>
          %parallel_loop3A_234 = vector.bitcast %parallel_loop3A_233 : vector<16xi32> to vector<16xf32>
          %parallel_loop3A_235 = arith.constant -65536 : i32
          %parallel_loop3A_236 = vector.broadcast %parallel_loop3A_235 : i32 to vector<16xi32>
          %parallel_loop3A_237 = arith.andi %parallel_loop3A_147, %parallel_loop3A_236 : vector<16xi32>
          %parallel_loop3A_238 = vector.bitcast %parallel_loop3A_237 : vector<16xi32> to vector<16xf32>
          %parallel_loop3A_239 = arith.subf %parallel_loop3A_210, %parallel_loop3A_222 : vector<16xf32>
          %parallel_loop3A_240 = arith.mulf %parallel_loop3A_87, %parallel_loop3A_239 : vector<16xf32>
          %parallel_loop3A_241 = arith.addf %parallel_loop3A_222, %parallel_loop3A_240 : vector<16xf32>
          %parallel_loop3A_242 = arith.subf %parallel_loop3A_214, %parallel_loop3A_218 : vector<16xf32>
          %parallel_loop3A_243 = arith.mulf %parallel_loop3A_87, %parallel_loop3A_242 : vector<16xf32>
          %parallel_loop3A_244 = arith.addf %parallel_loop3A_218, %parallel_loop3A_243 : vector<16xf32>
          %parallel_loop3A_245 = arith.subf %parallel_loop3A_230, %parallel_loop3A_234 : vector<16xf32>
          %parallel_loop3A_246 = arith.mulf %parallel_loop3A_87, %parallel_loop3A_245 : vector<16xf32>
          %parallel_loop3A_247 = arith.addf %parallel_loop3A_234, %parallel_loop3A_246 : vector<16xf32>
          %parallel_loop3A_248 = arith.subf %parallel_loop3A_226, %parallel_loop3A_238 : vector<16xf32>
          %parallel_loop3A_249 = arith.mulf %parallel_loop3A_87, %parallel_loop3A_248 : vector<16xf32>
          %parallel_loop3A_250 = arith.addf %parallel_loop3A_238, %parallel_loop3A_249 : vector<16xf32>
          %parallel_loop3A_251 = arith.subf %parallel_loop3A_241, %parallel_loop3A_244 : vector<16xf32>
          %parallel_loop3A_252 = arith.mulf %parallel_loop3A_93, %parallel_loop3A_251 : vector<16xf32>
          %parallel_loop3A_253 = arith.addf %parallel_loop3A_244, %parallel_loop3A_252 : vector<16xf32>
          %parallel_loop3A_254 = arith.subf %parallel_loop3A_250, %parallel_loop3A_247 : vector<16xf32>
          %parallel_loop3A_255 = arith.mulf %parallel_loop3A_93, %parallel_loop3A_254 : vector<16xf32>
          %parallel_loop3A_256 = arith.addf %parallel_loop3A_247, %parallel_loop3A_255 : vector<16xf32>
          %parallel_loop3A_257 = arith.subf %parallel_loop3A_253, %parallel_loop3A_256 : vector<16xf32>
          %parallel_loop3A_258 = arith.mulf %parallel_loop3A_99, %parallel_loop3A_257 : vector<16xf32>
          %parallel_loop3A_259 = arith.addf %parallel_loop3A_256, %parallel_loop3A_258 : vector<16xf32>
          %parallel_loop3A_260 = arith.constant 16 : i32
          %parallel_loop3A_261 = arith.muli %parallel_loop3A_81, %parallel_loop3A_260 : i32
          %parallel_loop3A_262 = arith.constant 1 : i32
          %parallel_loop3A_263 = arith.index_cast %parallel_loop3A_262 : i32 to index
          %parallel_loop3A_264 = arith.index_cast %parallel_loop3A_261 : i32 to index
          %parallel_loop3A_265 = tpu.vector_load %arg15[%parallel_loop3A_263, %parallel_loop3A_264] {strides = array<i32>} : memref<2x512xf32, #tpu.memory_space<vmem>>, vector<16xf32>,
          tpu.vector_store %arg15[%parallel_loop3A_263, %parallel_loop3A_264], %parallel_loop3A_259 {strides = array<i32>} : memref<2x512xf32, #tpu.memory_space<vmem>>, vector<16xf32>,
        } {sc.loop_unroll_factor = 2 : i64, sc.parallel_access}
        %mul3A_59 = arith.constant 2 : i32
        %mul3A_60 = arith.muli %mul3A_59, %scan3A_16 : i32
        %mul3A_61 = arith.constant 512 : i32
        %mul3A_62 = arith.muli %mul3A_43, %mul3A_61 : i32
        %add3A_63 = arith.addi %mul3A_2, %mul3A_62 : i32
        "tpu.region"() ({
          %run_scoped3A = tpu.sem_alloc : memref<!tpu.dma_semaphore, #tpu.memory_space<semaphore_mem>>
          %dma_start3A_81 = tpu.memref_slice %arg5[%mul3A_60, %add3A_63] : memref<32x131072xf32, #tpu.memory_space<hbm>> -> memref<2x512xf32, #tpu.memory_space<hbm>>
          %dma_start3A_82 = tpu.memref_slice %arg5[%mul3A_60, %add3A_63] : memref<32x131072xf32, #tpu.memory_space<hbm>> -> memref<2x512xf32, #tpu.memory_space<hbm>>
          tpu.enqueue_dma source(%arg15 : memref<2x512xf32, #tpu.memory_space<vmem>>) target(%dma_start3A_82 : memref<2x512xf32, #tpu.memory_space<hbm>>) target_semaphore(%run_scoped3A : memref<!tpu.dma_semaphore, #tpu.memory_space<semaphore_mem>>)
          %dma_wait3A_83 = tpu.memref_slice %arg5[%mul3A_60, %add3A_63] : memref<32x131072xf32, #tpu.memory_space<hbm>> -> memref<2x512xf32, #tpu.memory_space<hbm>>
          %dma_wait3A_84 = tpu.memref_slice %arg5[%mul3A_60, %add3A_63] : memref<32x131072xf32, #tpu.memory_space<hbm>> -> memref<2x512xf32, #tpu.memory_space<hbm>>
          tpu.wait_dma2 semaphore(%run_scoped3A : memref<!tpu.dma_semaphore, #tpu.memory_space<semaphore_mem>>) src(%arg15 : memref<2x512xf32, #tpu.memory_space<vmem>>) dst(%dma_wait3A_84 : memref<2x512xf32, #tpu.memory_space<hbm>>)
          tpu.yield
        }) : () -> ()
        %lt3A_64 = arith.constant 3 : i32
        %lt3A_65 = arith.cmpi slt, %scan3A_41, %lt3A_64 : i32
        %convert_element_type3A_66 = arith.extui %lt3A_65 : i1 to i32
        %cond3A_67 = arith.constant 0 : i32
        %cond3A_68 = arith.cmpi ne, %convert_element_type3A_66, %cond3A_67 : i32
        scf.if %cond3A_68 {
          %add3A_81 = arith.constant 2 : i32
          %add3A_82 = arith.addi %mul3A_43, %add3A_81 : i32
          %mul3A_83 = arith.constant 512 : i32
          %mul3A_84 = arith.muli %add3A_82, %mul3A_83 : i32
          %mul3A_85 = arith.constant 524288 : i32
          %mul3A_86 = arith.muli %and3A_17, %mul3A_85 : i32
          %parallel_loop3A_87 = arith.constant 0 : i32
          %parallel_loop3A_88 = arith.constant 32 : i32
          %parallel_loop3A_89 = arith.constant 1 : i32
          scf.for %parallel_loop3A_92 = %parallel_loop3A_87 to %parallel_loop3A_88 step %parallel_loop3A_89  : i32 {
            %parallel_loop3A_93 = arith.constant 16 : i32
            %parallel_loop3A_94 = arith.muli %parallel_loop3A_92, %parallel_loop3A_93 : i32
            %parallel_loop3A_95 = arith.addi %mul3A_84, %parallel_loop3A_94 : i32
            %parallel_loop3A_96 = arith.index_cast %parallel_loop3A_95 : i32 to index
            %parallel_loop3A_97 = tpu.vector_load %arg7[%parallel_loop3A_96] {strides = array<i32>} : memref<12288xf32, #tpu.memory_space<vmem>>, vector<16xf32>,
            %parallel_loop3A_98 = arith.constant 4096 : i32
            %parallel_loop3A_99 = arith.addi %parallel_loop3A_98, %parallel_loop3A_95 : i32
            %parallel_loop3A_100 = arith.index_cast %parallel_loop3A_99 : i32 to index
            %parallel_loop3A_101 = tpu.vector_load %arg7[%parallel_loop3A_100] {strides = array<i32>} : memref<12288xf32, #tpu.memory_space<vmem>>, vector<16xf32>,
            %parallel_loop3A_102 = arith.constant 8192 : i32
            %parallel_loop3A_103 = arith.addi %parallel_loop3A_102, %parallel_loop3A_95 : i32
            %parallel_loop3A_104 = arith.index_cast %parallel_loop3A_103 : i32 to index
            %parallel_loop3A_105 = tpu.vector_load %arg7[%parallel_loop3A_104] {strides = array<i32>} : memref<12288xf32, #tpu.memory_space<vmem>>, vector<16xf32>,
            %parallel_loop3A_106 = arith.constant 16 : i32
            %parallel_loop3A_107 = arith.muli %scan3A_16, %parallel_loop3A_106 : i32
            %parallel_loop3A_108 = arith.index_cast %parallel_loop3A_107 : i32 to index
            %parallel_loop3A_109 = tpu.vector_load %arg8[%parallel_loop3A_108] {strides = array<i32>} : memref<256xf32, #tpu.memory_space<vmem>>, vector<16xf32>,
            %parallel_loop3A_110 = arith.mulf %parallel_loop3A_97, %parallel_loop3A_109 : vector<16xf32>
            %parallel_loop3A_111 = arith.mulf %parallel_loop3A_101, %parallel_loop3A_109 : vector<16xf32>
            %parallel_loop3A_112 = arith.mulf %parallel_loop3A_105, %parallel_loop3A_109 : vector<16xf32>
            %parallel_loop3A_113 = arith.fptosi %parallel_loop3A_110 : vector<16xf32> to vector<16xi32>
            %parallel_loop3A_114 = arith.fptosi %parallel_loop3A_111 : vector<16xf32> to vector<16xi32>
            %parallel_loop3A_115 = arith.fptosi %parallel_loop3A_112 : vector<16xf32> to vector<16xi32>
            %parallel_loop3A_116 = arith.sitofp %parallel_loop3A_113 : vector<16xi32> to vector<16xf32>
            %parallel_loop3A_117 = arith.sitofp %parallel_loop3A_114 : vector<16xi32> to vector<16xf32>
            %parallel_loop3A_118 = arith.sitofp %parallel_loop3A_115 : vector<16xi32> to vector<16xf32>
            %parallel_loop3A_119 = arith.cmpf ogt, %parallel_loop3A_110, %parallel_loop3A_116 : vector<16xf32>
            %parallel_loop3A_120 = arith.constant 1 : i32
            %parallel_loop3A_121 = vector.broadcast %parallel_loop3A_120 : i32 to vector<16xi32>
            %parallel_loop3A_122 = arith.addi %parallel_loop3A_113, %parallel_loop3A_121 : vector<16xi32>
            %parallel_loop3A_123 = arith.select %parallel_loop3A_119, %parallel_loop3A_122, %parallel_loop3A_113 : vector<16xi1>, vector<16xi32>
            %parallel_loop3A_124 = arith.cmpf ogt, %parallel_loop3A_111, %parallel_loop3A_117 : vector<16xf32>
            %parallel_loop3A_125 = arith.constant 1 : i32
            %parallel_loop3A_126 = vector.broadcast %parallel_loop3A_125 : i32 to vector<16xi32>
            %parallel_loop3A_127 = arith.addi %parallel_loop3A_114, %parallel_loop3A_126 : vector<16xi32>
            %parallel_loop3A_128 = arith.select %parallel_loop3A_124, %parallel_loop3A_127, %parallel_loop3A_114 : vector<16xi1>, vector<16xi32>
            %parallel_loop3A_129 = arith.cmpf ogt, %parallel_loop3A_112, %parallel_loop3A_118 : vector<16xf32>
            %parallel_loop3A_130 = arith.constant 1 : i32
            %parallel_loop3A_131 = vector.broadcast %parallel_loop3A_130 : i32 to vector<16xi32>
            %parallel_loop3A_132 = arith.addi %parallel_loop3A_115, %parallel_loop3A_131 : vector<16xi32>
            %parallel_loop3A_133 = arith.select %parallel_loop3A_129, %parallel_loop3A_132, %parallel_loop3A_115 : vector<16xi1>, vector<16xi32>
            %parallel_loop3A_134 = arith.subf %parallel_loop3A_110, %parallel_loop3A_116 : vector<16xf32>
            %parallel_loop3A_135 = arith.constant 16 : i32
            %parallel_loop3A_136 = arith.muli %parallel_loop3A_92, %parallel_loop3A_135 : i32
            %parallel_loop3A_137 = arith.constant 0 : i32
            %parallel_loop3A_138 = arith.addi %parallel_loop3A_137, %parallel_loop3A_136 : i32
            %parallel_loop3A_139 = arith.index_cast %parallel_loop3A_138 : i32 to index
            %parallel_loop3A_140 = tpu.vector_load %arg9[%parallel_loop3A_139] {strides = array<i32>} : memref<1536xf32, #tpu.memory_space<vmem>>, vector<16xf32>,
            tpu.vector_store %arg9[%parallel_loop3A_139], %parallel_loop3A_134 {strides = array<i32>} : memref<1536xf32, #tpu.memory_space<vmem>>, vector<16xf32>,
            %parallel_loop3A_141 = arith.subf %parallel_loop3A_111, %parallel_loop3A_117 : vector<16xf32>
            %parallel_loop3A_142 = arith.constant 16 : i32
            %parallel_loop3A_143 = arith.muli %parallel_loop3A_92, %parallel_loop3A_142 : i32
            %parallel_loop3A_144 = arith.constant 512 : i32
            %parallel_loop3A_145 = arith.addi %parallel_loop3A_144, %parallel_loop3A_143 : i32
            %parallel_loop3A_146 = arith.index_cast %parallel_loop3A_145 : i32 to index
            %parallel_loop3A_147 = tpu.vector_load %arg9[%parallel_loop3A_146] {strides = array<i32>} : memref<1536xf32, #tpu.memory_space<vmem>>, vector<16xf32>,
            tpu.vector_store %arg9[%parallel_loop3A_146], %parallel_loop3A_141 {strides = array<i32>} : memref<1536xf32, #tpu.memory_space<vmem>>, vector<16xf32>,
            %parallel_loop3A_148 = arith.subf %parallel_loop3A_112, %parallel_loop3A_118 : vector<16xf32>
            %parallel_loop3A_149 = arith.constant 16 : i32
            %parallel_loop3A_150 = arith.muli %parallel_loop3A_92, %parallel_loop3A_149 : i32
            %parallel_loop3A_151 = arith.constant 1024 : i32
            %parallel_loop3A_152 = arith.addi %parallel_loop3A_151, %parallel_loop3A_150 : i32
            %parallel_loop3A_153 = arith.index_cast %parallel_loop3A_152 : i32 to index
            %parallel_loop3A_154 = tpu.vector_load %arg9[%parallel_loop3A_153] {strides = array<i32>} : memref<1536xf32, #tpu.memory_space<vmem>>, vector<16xf32>,
            tpu.vector_store %arg9[%parallel_loop3A_153], %parallel_loop3A_148 {strides = array<i32>} : memref<1536xf32, #tpu.memory_space<vmem>>, vector<16xf32>,
            %parallel_loop3A_155 = arith.constant -1640531535 : i32
            %parallel_loop3A_156 = vector.broadcast %parallel_loop3A_155 : i32 to vector<16xi32>
            %parallel_loop3A_157 = arith.muli %parallel_loop3A_128, %parallel_loop3A_156 : vector<16xi32>
            %parallel_loop3A_158 = arith.constant -1640531535 : i32
            %parallel_loop3A_159 = vector.broadcast %parallel_loop3A_158 : i32 to vector<16xi32>
            %parallel_loop3A_160 = arith.muli %parallel_loop3A_114, %parallel_loop3A_159 : vector<16xi32>
            %parallel_loop3A_161 = arith.constant 805459861 : i32
            %parallel_loop3A_162 = vector.broadcast %parallel_loop3A_161 : i32 to vector<16xi32>
            %parallel_loop3A_163 = arith.muli %parallel_loop3A_133, %parallel_loop3A_162 : vector<16xi32>
            %parallel_loop3A_164 = arith.constant 805459861 : i32
            %parallel_loop3A_165 = vector.broadcast %parallel_loop3A_164 : i32 to vector<16xi32>
            %parallel_loop3A_166 = arith.muli %parallel_loop3A_115, %parallel_loop3A_165 : vector<16xi32>
            %parallel_loop3A_167 = arith.xori %parallel_loop3A_123, %parallel_loop3A_157 : vector<16xi32>
            %parallel_loop3A_168 = arith.xori %parallel_loop3A_123, %parallel_loop3A_160 : vector<16xi32>
            %parallel_loop3A_169 = arith.xori %parallel_loop3A_113, %parallel_loop3A_157 : vector<16xi32>
            %parallel_loop3A_170 = arith.xori %parallel_loop3A_113, %parallel_loop3A_160 : vector<16xi32>
            %parallel_loop3A_171 = arith.xori %parallel_loop3A_167, %parallel_loop3A_163 : vector<16xi32>
            %parallel_loop3A_172 = arith.xori %parallel_loop3A_167, %parallel_loop3A_166 : vector<16xi32>
            %parallel_loop3A_173 = arith.xori %parallel_loop3A_168, %parallel_loop3A_163 : vector<16xi32>
            %parallel_loop3A_174 = arith.xori %parallel_loop3A_169, %parallel_loop3A_163 : vector<16xi32>
            %parallel_loop3A_175 = arith.xori %parallel_loop3A_168, %parallel_loop3A_166 : vector<16xi32>
            %parallel_loop3A_176 = arith.xori %parallel_loop3A_169, %parallel_loop3A_166 : vector<16xi32>
            %parallel_loop3A_177 = arith.xori %parallel_loop3A_170, %parallel_loop3A_163 : vector<16xi32>
            %parallel_loop3A_178 = arith.xori %parallel_loop3A_170, %parallel_loop3A_166 : vector<16xi32>
            %parallel_loop3A_179 = arith.constant 524287 : i32
            %parallel_loop3A_180 = vector.broadcast %parallel_loop3A_179 : i32 to vector<16xi32>
            %parallel_loop3A_181 = arith.andi %parallel_loop3A_171, %parallel_loop3A_180 : vector<16xi32>
            %parallel_loop3A_182 = vector.broadcast %mul3A_86 : i32 to vector<16xi32>
            %parallel_loop3A_183 = arith.addi %parallel_loop3A_181, %parallel_loop3A_182 : vector<16xi32>
            %parallel_loop3A_184 = arith.constant 16 : i32
            %parallel_loop3A_185 = arith.muli %parallel_loop3A_92, %parallel_loop3A_184 : i32
            %parallel_loop3A_186 = arith.constant 0 : i32
            %parallel_loop3A_187 = arith.addi %parallel_loop3A_186, %parallel_loop3A_185 : i32
            %parallel_loop3A_188 = arith.index_cast %parallel_loop3A_187 : i32 to index
            %parallel_loop3A_189 = tpu.vector_load %arg11[%parallel_loop3A_188] {strides = array<i32>} : memref<4096xi32, #tpu.memory_space<vmem>>, vector<16xi32>,
            tpu.vector_store %arg11[%parallel_loop3A_188], %parallel_loop3A_183 {strides = array<i32>} : memref<4096xi32, #tpu.memory_space<vmem>>, vector<16xi32>,
            %parallel_loop3A_190 = arith.constant 524287 : i32
            %parallel_loop3A_191 = vector.broadcast %parallel_loop3A_190 : i32 to vector<16xi32>
            %parallel_loop3A_192 = arith.andi %parallel_loop3A_172, %parallel_loop3A_191 : vector<16xi32>
            %parallel_loop3A_193 = vector.broadcast %mul3A_86 : i32 to vector<16xi32>
            %parallel_loop3A_194 = arith.addi %parallel_loop3A_192, %parallel_loop3A_193 : vector<16xi32>
            %parallel_loop3A_195 = arith.constant 16 : i32
            %parallel_loop3A_196 = arith.muli %parallel_loop3A_92, %parallel_loop3A_195 : i32
            %parallel_loop3A_197 = arith.constant 512 : i32
            %parallel_loop3A_198 = arith.addi %parallel_loop3A_197, %parallel_loop3A_196 : i32
            %parallel_loop3A_199 = arith.index_cast %parallel_loop3A_198 : i32 to index
            %parallel_loop3A_200 = tpu.vector_load %arg11[%parallel_loop3A_199] {strides = array<i32>} : memref<4096xi32, #tpu.memory_space<vmem>>, vector<16xi32>,
            tpu.vector_store %arg11[%parallel_loop3A_199], %parallel_loop3A_194 {strides = array<i32>} : memref<4096xi32, #tpu.memory_space<vmem>>, vector<16xi32>,
            %parallel_loop3A_201 = arith.constant 524287 : i32
            %parallel_loop3A_202 = vector.broadcast %parallel_loop3A_201 : i32 to vector<16xi32>
            %parallel_loop3A_203 = arith.andi %parallel_loop3A_173, %parallel_loop3A_202 : vector<16xi32>
            %parallel_loop3A_204 = vector.broadcast %mul3A_86 : i32 to vector<16xi32>
            %parallel_loop3A_205 = arith.addi %parallel_loop3A_203, %parallel_loop3A_204 : vector<16xi32>
            %parallel_loop3A_206 = arith.constant 16 : i32
            %parallel_loop3A_207 = arith.muli %parallel_loop3A_92, %parallel_loop3A_206 : i32
            %parallel_loop3A_208 = arith.constant 1024 : i32
            %parallel_loop3A_209 = arith.addi %parallel_loop3A_208, %parallel_loop3A_207 : i32
            %parallel_loop3A_210 = arith.index_cast %parallel_loop3A_209 : i32 to index
            %parallel_loop3A_211 = tpu.vector_load %arg11[%parallel_loop3A_210] {strides = array<i32>} : memref<4096xi32, #tpu.memory_space<vmem>>, vector<16xi32>,
            tpu.vector_store %arg11[%parallel_loop3A_210], %parallel_loop3A_205 {strides = array<i32>} : memref<4096xi32, #tpu.memory_space<vmem>>, vector<16xi32>,
            %parallel_loop3A_212 = arith.constant 524287 : i32
            %parallel_loop3A_213 = vector.broadcast %parallel_loop3A_212 : i32 to vector<16xi32>
            %parallel_loop3A_214 = arith.andi %parallel_loop3A_174, %parallel_loop3A_213 : vector<16xi32>
            %parallel_loop3A_215 = vector.broadcast %mul3A_86 : i32 to vector<16xi32>
            %parallel_loop3A_216 = arith.addi %parallel_loop3A_214, %parallel_loop3A_215 : vector<16xi32>
            %parallel_loop3A_217 = arith.constant 16 : i32
            %parallel_loop3A_218 = arith.muli %parallel_loop3A_92, %parallel_loop3A_217 : i32
            %parallel_loop3A_219 = arith.constant 1536 : i32
            %parallel_loop3A_220 = arith.addi %parallel_loop3A_219, %parallel_loop3A_218 : i32
            %parallel_loop3A_221 = arith.index_cast %parallel_loop3A_220 : i32 to index
            %parallel_loop3A_222 = tpu.vector_load %arg11[%parallel_loop3A_221] {strides = array<i32>} : memref<4096xi32, #tpu.memory_space<vmem>>, vector<16xi32>,
            tpu.vector_store %arg11[%parallel_loop3A_221], %parallel_loop3A_216 {strides = array<i32>} : memref<4096xi32, #tpu.memory_space<vmem>>, vector<16xi32>,
            %parallel_loop3A_223 = arith.constant 524287 : i32
            %parallel_loop3A_224 = vector.broadcast %parallel_loop3A_223 : i32 to vector<16xi32>
            %parallel_loop3A_225 = arith.andi %parallel_loop3A_175, %parallel_loop3A_224 : vector<16xi32>
            %parallel_loop3A_226 = vector.broadcast %mul3A_86 : i32 to vector<16xi32>
            %parallel_loop3A_227 = arith.addi %parallel_loop3A_225, %parallel_loop3A_226 : vector<16xi32>
            %parallel_loop3A_228 = arith.constant 16 : i32
            %parallel_loop3A_229 = arith.muli %parallel_loop3A_92, %parallel_loop3A_228 : i32
            %parallel_loop3A_230 = arith.constant 2048 : i32
            %parallel_loop3A_231 = arith.addi %parallel_loop3A_230, %parallel_loop3A_229 : i32
            %parallel_loop3A_232 = arith.index_cast %parallel_loop3A_231 : i32 to index
            %parallel_loop3A_233 = tpu.vector_load %arg11[%parallel_loop3A_232] {strides = array<i32>} : memref<4096xi32, #tpu.memory_space<vmem>>, vector<16xi32>,
            tpu.vector_store %arg11[%parallel_loop3A_232], %parallel_loop3A_227 {strides = array<i32>} : memref<4096xi32, #tpu.memory_space<vmem>>, vector<16xi32>,
            %parallel_loop3A_234 = arith.constant 524287 : i32
            %parallel_loop3A_235 = vector.broadcast %parallel_loop3A_234 : i32 to vector<16xi32>
            %parallel_loop3A_236 = arith.andi %parallel_loop3A_176, %parallel_loop3A_235 : vector<16xi32>
            %parallel_loop3A_237 = vector.broadcast %mul3A_86 : i32 to vector<16xi32>
            %parallel_loop3A_238 = arith.addi %parallel_loop3A_236, %parallel_loop3A_237 : vector<16xi32>
            %parallel_loop3A_239 = arith.constant 16 : i32
            %parallel_loop3A_240 = arith.muli %parallel_loop3A_92, %parallel_loop3A_239 : i32
            %parallel_loop3A_241 = arith.constant 2560 : i32
            %parallel_loop3A_242 = arith.addi %parallel_loop3A_241, %parallel_loop3A_240 : i32
            %parallel_loop3A_243 = arith.index_cast %parallel_loop3A_242 : i32 to index
            %parallel_loop3A_244 = tpu.vector_load %arg11[%parallel_loop3A_243] {strides = array<i32>} : memref<4096xi32, #tpu.memory_space<vmem>>, vector<16xi32>,
            tpu.vector_store %arg11[%parallel_loop3A_243], %parallel_loop3A_238 {strides = array<i32>} : memref<4096xi32, #tpu.memory_space<vmem>>, vector<16xi32>,
            %parallel_loop3A_245 = arith.constant 524287 : i32
            %parallel_loop3A_246 = vector.broadcast %parallel_loop3A_245 : i32 to vector<16xi32>
            %parallel_loop3A_247 = arith.andi %parallel_loop3A_177, %parallel_loop3A_246 : vector<16xi32>
            %parallel_loop3A_248 = vector.broadcast %mul3A_86 : i32 to vector<16xi32>
            %parallel_loop3A_249 = arith.addi %parallel_loop3A_247, %parallel_loop3A_248 : vector<16xi32>
            %parallel_loop3A_250 = arith.constant 16 : i32
            %parallel_loop3A_251 = arith.muli %parallel_loop3A_92, %parallel_loop3A_250 : i32
            %parallel_loop3A_252 = arith.constant 3072 : i32
            %parallel_loop3A_253 = arith.addi %parallel_loop3A_252, %parallel_loop3A_251 : i32
            %parallel_loop3A_254 = arith.index_cast %parallel_loop3A_253 : i32 to index
            %parallel_loop3A_255 = tpu.vector_load %arg11[%parallel_loop3A_254] {strides = array<i32>} : memref<4096xi32, #tpu.memory_space<vmem>>, vector<16xi32>,
            tpu.vector_store %arg11[%parallel_loop3A_254], %parallel_loop3A_249 {strides = array<i32>} : memref<4096xi32, #tpu.memory_space<vmem>>, vector<16xi32>,
            %parallel_loop3A_256 = arith.constant 524287 : i32
            %parallel_loop3A_257 = vector.broadcast %parallel_loop3A_256 : i32 to vector<16xi32>
            %parallel_loop3A_258 = arith.andi %parallel_loop3A_178, %parallel_loop3A_257 : vector<16xi32>
            %parallel_loop3A_259 = vector.broadcast %mul3A_86 : i32 to vector<16xi32>
            %parallel_loop3A_260 = arith.addi %parallel_loop3A_258, %parallel_loop3A_259 : vector<16xi32>
            %parallel_loop3A_261 = arith.constant 16 : i32
            %parallel_loop3A_262 = arith.muli %parallel_loop3A_92, %parallel_loop3A_261 : i32
            %parallel_loop3A_263 = arith.constant 3584 : i32
            %parallel_loop3A_264 = arith.addi %parallel_loop3A_263, %parallel_loop3A_262 : i32
            %parallel_loop3A_265 = arith.index_cast %parallel_loop3A_264 : i32 to index
            %parallel_loop3A_266 = tpu.vector_load %arg11[%parallel_loop3A_265] {strides = array<i32>} : memref<4096xi32, #tpu.memory_space<vmem>>, vector<16xi32>,
            tpu.vector_store %arg11[%parallel_loop3A_265], %parallel_loop3A_260 {strides = array<i32>} : memref<4096xi32, #tpu.memory_space<vmem>>, vector<16xi32>,
          } {sc.loop_unroll_factor = 2 : i64, sc.parallel_access}
          %dma_start3A_90 = arith.constant 0 : i32
          %dma_start3A_91 = tpu.memref_slice %arg6[%dma_start3A_90] : memref<1048576xi32, #tpu.memory_space<vmem_shared>> -> memref<1048576xi32, #tpu.memory_space<vmem_shared>>
          tpu.enqueue_indirect_dma source(%dma_start3A_91 : memref<1048576xi32, #tpu.memory_space<vmem_shared>>) target(%arg13 : memref<4096xi32, #tpu.memory_space<vmem>>) offsets(%arg11 : memref<4096xi32, #tpu.memory_space<vmem>>) semaphore(%arg16 : memref<!tpu.dma_semaphore, #tpu.memory_space<semaphore_mem>>)
        } else {
        }
        %dma_wait3A_69 = arith.constant 0 : i32
        %dma_wait3A_70 = tpu.memref_slice %arg6[%dma_wait3A_69] : memref<1048576xi32, #tpu.memory_space<vmem_shared>> -> memref<1048576xi32, #tpu.memory_space<vmem_shared>>
        tpu.wait_indirect_dma semaphore(%arg17 : memref<!tpu.dma_semaphore, #tpu.memory_space<semaphore_mem>>) src(%dma_wait3A_70 : memref<1048576xi32, #tpu.memory_space<vmem_shared>>) dst(%arg14 : memref<4096xi32, #tpu.memory_space<vmem>>)
        %add3A_71 = arith.constant 1 : i32
        %add3A_72 = arith.addi %mul3A_43, %add3A_71 : i32
        %parallel_loop3A_73 = arith.constant 0 : i32
        %parallel_loop3A_74 = arith.constant 32 : i32
        %parallel_loop3A_75 = arith.constant 1 : i32
        scf.for %parallel_loop3A_81 = %parallel_loop3A_73 to %parallel_loop3A_74 step %parallel_loop3A_75  : i32 {
          %parallel_loop3A_82 = arith.constant 16 : i32
          %parallel_loop3A_83 = arith.muli %parallel_loop3A_81, %parallel_loop3A_82 : i32
          %parallel_loop3A_84 = arith.constant 0 : i32
          %parallel_loop3A_85 = arith.addi %parallel_loop3A_84, %parallel_loop3A_83 : i32
          %parallel_loop3A_86 = arith.index_cast %parallel_loop3A_85 : i32 to index
          %parallel_loop3A_87 = tpu.vector_load %arg10[%parallel_loop3A_86] {strides = array<i32>} : memref<1536xf32, #tpu.memory_space<vmem>>, vector<16xf32>,
          %parallel_loop3A_88 = arith.constant 16 : i32
          %parallel_loop3A_89 = arith.muli %parallel_loop3A_81, %parallel_loop3A_88 : i32
          %parallel_loop3A_90 = arith.constant 512 : i32
          %parallel_loop3A_91 = arith.addi %parallel_loop3A_90, %parallel_loop3A_89 : i32
          %parallel_loop3A_92 = arith.index_cast %parallel_loop3A_91 : i32 to index
          %parallel_loop3A_93 = tpu.vector_load %arg10[%parallel_loop3A_92] {strides = array<i32>} : memref<1536xf32, #tpu.memory_space<vmem>>, vector<16xf32>,
          %parallel_loop3A_94 = arith.constant 16 : i32
          %parallel_loop3A_95 = arith.muli %parallel_loop3A_81, %parallel_loop3A_94 : i32
          %parallel_loop3A_96 = arith.constant 1024 : i32
          %parallel_loop3A_97 = arith.addi %parallel_loop3A_96, %parallel_loop3A_95 : i32
          %parallel_loop3A_98 = arith.index_cast %parallel_loop3A_97 : i32 to index
          %parallel_loop3A_99 = tpu.vector_load %arg10[%parallel_loop3A_98] {strides = array<i32>} : memref<1536xf32, #tpu.memory_space<vmem>>, vector<16xf32>,
          %parallel_loop3A_100 = arith.constant 16 : i32
          %parallel_loop3A_101 = arith.muli %parallel_loop3A_81, %parallel_loop3A_100 : i32
          %parallel_loop3A_102 = arith.constant 0 : i32
          %parallel_loop3A_103 = arith.addi %parallel_loop3A_102, %parallel_loop3A_101 : i32
          %parallel_loop3A_104 = arith.index_cast %parallel_loop3A_103 : i32 to index
          %parallel_loop3A_105 = tpu.vector_load %arg14[%parallel_loop3A_104] {strides = array<i32>} : memref<4096xi32, #tpu.memory_space<vmem>>, vector<16xi32>,
          %parallel_loop3A_106 = arith.constant 16 : i32
          %parallel_loop3A_107 = arith.muli %parallel_loop3A_81, %parallel_loop3A_106 : i32
          %parallel_loop3A_108 = arith.constant 512 : i32
          %parallel_loop3A_109 = arith.addi %parallel_loop3A_108, %parallel_loop3A_107 : i32
          %parallel_loop3A_110 = arith.index_cast %parallel_loop3A_109 : i32 to index
          %parallel_loop3A_111 = tpu.vector_load %arg14[%parallel_loop3A_110] {strides = array<i32>} : memref<4096xi32, #tpu.memory_space<vmem>>, vector<16xi32>,
          %parallel_loop3A_112 = arith.constant 16 : i32
          %parallel_loop3A_113 = arith.muli %parallel_loop3A_81, %parallel_loop3A_112 : i32
          %parallel_loop3A_114 = arith.constant 1024 : i32
          %parallel_loop3A_115 = arith.addi %parallel_loop3A_114, %parallel_loop3A_113 : i32
          %parallel_loop3A_116 = arith.index_cast %parallel_loop3A_115 : i32 to index
          %parallel_loop3A_117 = tpu.vector_load %arg14[%parallel_loop3A_116] {strides = array<i32>} : memref<4096xi32, #tpu.memory_space<vmem>>, vector<16xi32>,
          %parallel_loop3A_118 = arith.constant 16 : i32
          %parallel_loop3A_119 = arith.muli %parallel_loop3A_81, %parallel_loop3A_118 : i32
          %parallel_loop3A_120 = arith.constant 1536 : i32
          %parallel_loop3A_121 = arith.addi %parallel_loop3A_120, %parallel_loop3A_119 : i32
          %parallel_loop3A_122 = arith.index_cast %parallel_loop3A_121 : i32 to index
          %parallel_loop3A_123 = tpu.vector_load %arg14[%parallel_loop3A_122] {strides = array<i32>} : memref<4096xi32, #tpu.memory_space<vmem>>, vector<16xi32>,
          %parallel_loop3A_124 = arith.constant 16 : i32
          %parallel_loop3A_125 = arith.muli %parallel_loop3A_81, %parallel_loop3A_124 : i32
          %parallel_loop3A_126 = arith.constant 2048 : i32
          %parallel_loop3A_127 = arith.addi %parallel_loop3A_126, %parallel_loop3A_125 : i32
          %parallel_loop3A_128 = arith.index_cast %parallel_loop3A_127 : i32 to index
          %parallel_loop3A_129 = tpu.vector_load %arg14[%parallel_loop3A_128] {strides = array<i32>} : memref<4096xi32, #tpu.memory_space<vmem>>, vector<16xi32>,
          %parallel_loop3A_130 = arith.constant 16 : i32
          %parallel_loop3A_131 = arith.muli %parallel_loop3A_81, %parallel_loop3A_130 : i32
          %parallel_loop3A_132 = arith.constant 2560 : i32
          %parallel_loop3A_133 = arith.addi %parallel_loop3A_132, %parallel_loop3A_131 : i32
          %parallel_loop3A_134 = arith.index_cast %parallel_loop3A_133 : i32 to index
          %parallel_loop3A_135 = tpu.vector_load %arg14[%parallel_loop3A_134] {strides = array<i32>} : memref<4096xi32, #tpu.memory_space<vmem>>, vector<16xi32>,
          %parallel_loop3A_136 = arith.constant 16 : i32
          %parallel_loop3A_137 = arith.muli %parallel_loop3A_81, %parallel_loop3A_136 : i32
          %parallel_loop3A_138 = arith.constant 3072 : i32
          %parallel_loop3A_139 = arith.addi %parallel_loop3A_138, %parallel_loop3A_137 : i32
          %parallel_loop3A_140 = arith.index_cast %parallel_loop3A_139 : i32 to index
          %parallel_loop3A_141 = tpu.vector_load %arg14[%parallel_loop3A_140] {strides = array<i32>} : memref<4096xi32, #tpu.memory_space<vmem>>, vector<16xi32>,
          %parallel_loop3A_142 = arith.constant 16 : i32
          %parallel_loop3A_143 = arith.muli %parallel_loop3A_81, %parallel_loop3A_142 : i32
          %parallel_loop3A_144 = arith.constant 3584 : i32
          %parallel_loop3A_145 = arith.addi %parallel_loop3A_144, %parallel_loop3A_143 : i32
          %parallel_loop3A_146 = arith.index_cast %parallel_loop3A_145 : i32 to index
          %parallel_loop3A_147 = tpu.vector_load %arg14[%parallel_loop3A_146] {strides = array<i32>} : memref<4096xi32, #tpu.memory_space<vmem>>, vector<16xi32>,
          %parallel_loop3A_148 = arith.constant 16 : i32
          %parallel_loop3A_149 = vector.broadcast %parallel_loop3A_148 : i32 to vector<16xi32>
          %parallel_loop3A_150 = arith.shli %parallel_loop3A_105, %parallel_loop3A_149 : vector<16xi32>
          %parallel_loop3A_151 = vector.bitcast %parallel_loop3A_150 : vector<16xi32> to vector<16xf32>
          %parallel_loop3A_152 = arith.constant 16 : i32
          %parallel_loop3A_153 = vector.broadcast %parallel_loop3A_152 : i32 to vector<16xi32>
          %parallel_loop3A_154 = arith.shli %parallel_loop3A_111, %parallel_loop3A_153 : vector<16xi32>
          %parallel_loop3A_155 = vector.bitcast %parallel_loop3A_154 : vector<16xi32> to vector<16xf32>
          %parallel_loop3A_156 = arith.constant 16 : i32
          %parallel_loop3A_157 = vector.broadcast %parallel_loop3A_156 : i32 to vector<16xi32>
          %parallel_loop3A_158 = arith.shli %parallel_loop3A_117, %parallel_loop3A_157 : vector<16xi32>
          %parallel_loop3A_159 = vector.bitcast %parallel_loop3A_158 : vector<16xi32> to vector<16xf32>
          %parallel_loop3A_160 = arith.constant 16 : i32
          %parallel_loop3A_161 = vector.broadcast %parallel_loop3A_160 : i32 to vector<16xi32>
          %parallel_loop3A_162 = arith.shli %parallel_loop3A_123, %parallel_loop3A_161 : vector<16xi32>
          %parallel_loop3A_163 = vector.bitcast %parallel_loop3A_162 : vector<16xi32> to vector<16xf32>
          %parallel_loop3A_164 = arith.constant 16 : i32
          %parallel_loop3A_165 = vector.broadcast %parallel_loop3A_164 : i32 to vector<16xi32>
          %parallel_loop3A_166 = arith.shli %parallel_loop3A_129, %parallel_loop3A_165 : vector<16xi32>
          %parallel_loop3A_167 = vector.bitcast %parallel_loop3A_166 : vector<16xi32> to vector<16xf32>
          %parallel_loop3A_168 = arith.constant 16 : i32
          %parallel_loop3A_169 = vector.broadcast %parallel_loop3A_168 : i32 to vector<16xi32>
          %parallel_loop3A_170 = arith.shli %parallel_loop3A_135, %parallel_loop3A_169 : vector<16xi32>
          %parallel_loop3A_171 = vector.bitcast %parallel_loop3A_170 : vector<16xi32> to vector<16xf32>
          %parallel_loop3A_172 = arith.constant 16 : i32
          %parallel_loop3A_173 = vector.broadcast %parallel_loop3A_172 : i32 to vector<16xi32>
          %parallel_loop3A_174 = arith.shli %parallel_loop3A_141, %parallel_loop3A_173 : vector<16xi32>
          %parallel_loop3A_175 = vector.bitcast %parallel_loop3A_174 : vector<16xi32> to vector<16xf32>
          %parallel_loop3A_176 = arith.constant 16 : i32
          %parallel_loop3A_177 = vector.broadcast %parallel_loop3A_176 : i32 to vector<16xi32>
          %parallel_loop3A_178 = arith.shli %parallel_loop3A_147, %parallel_loop3A_177 : vector<16xi32>
          %parallel_loop3A_179 = vector.bitcast %parallel_loop3A_178 : vector<16xi32> to vector<16xf32>
          %parallel_loop3A_180 = arith.subf %parallel_loop3A_151, %parallel_loop3A_163 : vector<16xf32>
          %parallel_loop3A_181 = arith.mulf %parallel_loop3A_87, %parallel_loop3A_180 : vector<16xf32>
          %parallel_loop3A_182 = arith.addf %parallel_loop3A_163, %parallel_loop3A_181 : vector<16xf32>
          %parallel_loop3A_183 = arith.subf %parallel_loop3A_155, %parallel_loop3A_159 : vector<16xf32>
          %parallel_loop3A_184 = arith.mulf %parallel_loop3A_87, %parallel_loop3A_183 : vector<16xf32>
          %parallel_loop3A_185 = arith.addf %parallel_loop3A_159, %parallel_loop3A_184 : vector<16xf32>
          %parallel_loop3A_186 = arith.subf %parallel_loop3A_171, %parallel_loop3A_175 : vector<16xf32>
          %parallel_loop3A_187 = arith.mulf %parallel_loop3A_87, %parallel_loop3A_186 : vector<16xf32>
          %parallel_loop3A_188 = arith.addf %parallel_loop3A_175, %parallel_loop3A_187 : vector<16xf32>
          %parallel_loop3A_189 = arith.subf %parallel_loop3A_167, %parallel_loop3A_179 : vector<16xf32>
          %parallel_loop3A_190 = arith.mulf %parallel_loop3A_87, %parallel_loop3A_189 : vector<16xf32>
          %parallel_loop3A_191 = arith.addf %parallel_loop3A_179, %parallel_loop3A_190 : vector<16xf32>
          %parallel_loop3A_192 = arith.subf %parallel_loop3A_182, %parallel_loop3A_185 : vector<16xf32>
          %parallel_loop3A_193 = arith.mulf %parallel_loop3A_93, %parallel_loop3A_192 : vector<16xf32>
          %parallel_loop3A_194 = arith.addf %parallel_loop3A_185, %parallel_loop3A_193 : vector<16xf32>
          %parallel_loop3A_195 = arith.subf %parallel_loop3A_191, %parallel_loop3A_188 : vector<16xf32>
          %parallel_loop3A_196 = arith.mulf %parallel_loop3A_93, %parallel_loop3A_195 : vector<16xf32>
          %parallel_loop3A_197 = arith.addf %parallel_loop3A_188, %parallel_loop3A_196 : vector<16xf32>
          %parallel_loop3A_198 = arith.subf %parallel_loop3A_194, %parallel_loop3A_197 : vector<16xf32>
          %parallel_loop3A_199 = arith.mulf %parallel_loop3A_99, %parallel_loop3A_198 : vector<16xf32>
          %parallel_loop3A_200 = arith.addf %parallel_loop3A_197, %parallel_loop3A_199 : vector<16xf32>
          %parallel_loop3A_201 = arith.constant 16 : i32
          %parallel_loop3A_202 = arith.muli %parallel_loop3A_81, %parallel_loop3A_201 : i32
          %parallel_loop3A_203 = arith.constant 0 : i32
          %parallel_loop3A_204 = arith.index_cast %parallel_loop3A_203 : i32 to index
          %parallel_loop3A_205 = arith.index_cast %parallel_loop3A_202 : i32 to index
          %parallel_loop3A_206 = tpu.vector_load %arg15[%parallel_loop3A_204, %parallel_loop3A_205] {strides = array<i32>} : memref<2x512xf32, #tpu.memory_space<vmem>>, vector<16xf32>,
          tpu.vector_store %arg15[%parallel_loop3A_204, %parallel_loop3A_205], %parallel_loop3A_200 {strides = array<i32>} : memref<2x512xf32, #tpu.memory_space<vmem>>, vector<16xf32>,
          %parallel_loop3A_207 = arith.constant -65536 : i32
          %parallel_loop3A_208 = vector.broadcast %parallel_loop3A_207 : i32 to vector<16xi32>
          %parallel_loop3A_209 = arith.andi %parallel_loop3A_105, %parallel_loop3A_208 : vector<16xi32>
          %parallel_loop3A_210 = vector.bitcast %parallel_loop3A_209 : vector<16xi32> to vector<16xf32>
          %parallel_loop3A_211 = arith.constant -65536 : i32
          %parallel_loop3A_212 = vector.broadcast %parallel_loop3A_211 : i32 to vector<16xi32>
          %parallel_loop3A_213 = arith.andi %parallel_loop3A_111, %parallel_loop3A_212 : vector<16xi32>
          %parallel_loop3A_214 = vector.bitcast %parallel_loop3A_213 : vector<16xi32> to vector<16xf32>
          %parallel_loop3A_215 = arith.constant -65536 : i32
          %parallel_loop3A_216 = vector.broadcast %parallel_loop3A_215 : i32 to vector<16xi32>
          %parallel_loop3A_217 = arith.andi %parallel_loop3A_117, %parallel_loop3A_216 : vector<16xi32>
          %parallel_loop3A_218 = vector.bitcast %parallel_loop3A_217 : vector<16xi32> to vector<16xf32>
          %parallel_loop3A_219 = arith.constant -65536 : i32
          %parallel_loop3A_220 = vector.broadcast %parallel_loop3A_219 : i32 to vector<16xi32>
          %parallel_loop3A_221 = arith.andi %parallel_loop3A_123, %parallel_loop3A_220 : vector<16xi32>
          %parallel_loop3A_222 = vector.bitcast %parallel_loop3A_221 : vector<16xi32> to vector<16xf32>
          %parallel_loop3A_223 = arith.constant -65536 : i32
          %parallel_loop3A_224 = vector.broadcast %parallel_loop3A_223 : i32 to vector<16xi32>
          %parallel_loop3A_225 = arith.andi %parallel_loop3A_129, %parallel_loop3A_224 : vector<16xi32>
          %parallel_loop3A_226 = vector.bitcast %parallel_loop3A_225 : vector<16xi32> to vector<16xf32>
          %parallel_loop3A_227 = arith.constant -65536 : i32
          %parallel_loop3A_228 = vector.broadcast %parallel_loop3A_227 : i32 to vector<16xi32>
          %parallel_loop3A_229 = arith.andi %parallel_loop3A_135, %parallel_loop3A_228 : vector<16xi32>
          %parallel_loop3A_230 = vector.bitcast %parallel_loop3A_229 : vector<16xi32> to vector<16xf32>
          %parallel_loop3A_231 = arith.constant -65536 : i32
          %parallel_loop3A_232 = vector.broadcast %parallel_loop3A_231 : i32 to vector<16xi32>
          %parallel_loop3A_233 = arith.andi %parallel_loop3A_141, %parallel_loop3A_232 : vector<16xi32>
          %parallel_loop3A_234 = vector.bitcast %parallel_loop3A_233 : vector<16xi32> to vector<16xf32>
          %parallel_loop3A_235 = arith.constant -65536 : i32
          %parallel_loop3A_236 = vector.broadcast %parallel_loop3A_235 : i32 to vector<16xi32>
          %parallel_loop3A_237 = arith.andi %parallel_loop3A_147, %parallel_loop3A_236 : vector<16xi32>
          %parallel_loop3A_238 = vector.bitcast %parallel_loop3A_237 : vector<16xi32> to vector<16xf32>
          %parallel_loop3A_239 = arith.subf %parallel_loop3A_210, %parallel_loop3A_222 : vector<16xf32>
          %parallel_loop3A_240 = arith.mulf %parallel_loop3A_87, %parallel_loop3A_239 : vector<16xf32>
          %parallel_loop3A_241 = arith.addf %parallel_loop3A_222, %parallel_loop3A_240 : vector<16xf32>
          %parallel_loop3A_242 = arith.subf %parallel_loop3A_214, %parallel_loop3A_218 : vector<16xf32>
          %parallel_loop3A_243 = arith.mulf %parallel_loop3A_87, %parallel_loop3A_242 : vector<16xf32>
          %parallel_loop3A_244 = arith.addf %parallel_loop3A_218, %parallel_loop3A_243 : vector<16xf32>
          %parallel_loop3A_245 = arith.subf %parallel_loop3A_230, %parallel_loop3A_234 : vector<16xf32>
          %parallel_loop3A_246 = arith.mulf %parallel_loop3A_87, %parallel_loop3A_245 : vector<16xf32>
          %parallel_loop3A_247 = arith.addf %parallel_loop3A_234, %parallel_loop3A_246 : vector<16xf32>
          %parallel_loop3A_248 = arith.subf %parallel_loop3A_226, %parallel_loop3A_238 : vector<16xf32>
          %parallel_loop3A_249 = arith.mulf %parallel_loop3A_87, %parallel_loop3A_248 : vector<16xf32>
          %parallel_loop3A_250 = arith.addf %parallel_loop3A_238, %parallel_loop3A_249 : vector<16xf32>
          %parallel_loop3A_251 = arith.subf %parallel_loop3A_241, %parallel_loop3A_244 : vector<16xf32>
          %parallel_loop3A_252 = arith.mulf %parallel_loop3A_93, %parallel_loop3A_251 : vector<16xf32>
          %parallel_loop3A_253 = arith.addf %parallel_loop3A_244, %parallel_loop3A_252 : vector<16xf32>
          %parallel_loop3A_254 = arith.subf %parallel_loop3A_250, %parallel_loop3A_247 : vector<16xf32>
          %parallel_loop3A_255 = arith.mulf %parallel_loop3A_93, %parallel_loop3A_254 : vector<16xf32>
          %parallel_loop3A_256 = arith.addf %parallel_loop3A_247, %parallel_loop3A_255 : vector<16xf32>
          %parallel_loop3A_257 = arith.subf %parallel_loop3A_253, %parallel_loop3A_256 : vector<16xf32>
          %parallel_loop3A_258 = arith.mulf %parallel_loop3A_99, %parallel_loop3A_257 : vector<16xf32>
          %parallel_loop3A_259 = arith.addf %parallel_loop3A_256, %parallel_loop3A_258 : vector<16xf32>
          %parallel_loop3A_260 = arith.constant 16 : i32
          %parallel_loop3A_261 = arith.muli %parallel_loop3A_81, %parallel_loop3A_260 : i32
          %parallel_loop3A_262 = arith.constant 1 : i32
          %parallel_loop3A_263 = arith.index_cast %parallel_loop3A_262 : i32 to index
          %parallel_loop3A_264 = arith.index_cast %parallel_loop3A_261 : i32 to index
          %parallel_loop3A_265 = tpu.vector_load %arg15[%parallel_loop3A_263, %parallel_loop3A_264] {strides = array<i32>} : memref<2x512xf32, #tpu.memory_space<vmem>>, vector<16xf32>,
          tpu.vector_store %arg15[%parallel_loop3A_263, %parallel_loop3A_264], %parallel_loop3A_259 {strides = array<i32>} : memref<2x512xf32, #tpu.memory_space<vmem>>, vector<16xf32>,
        } {sc.loop_unroll_factor = 2 : i64, sc.parallel_access}
        %mul3A_76 = arith.constant 2 : i32
        %mul3A_77 = arith.muli %mul3A_76, %scan3A_16 : i32
        %mul3A_78 = arith.constant 512 : i32
        %mul3A_79 = arith.muli %add3A_72, %mul3A_78 : i32
        %add3A_80 = arith.addi %mul3A_2, %mul3A_79 : i32
        "tpu.region"() ({
          %run_scoped3A = tpu.sem_alloc : memref<!tpu.dma_semaphore, #tpu.memory_space<semaphore_mem>>
          %dma_start3A_81 = tpu.memref_slice %arg5[%mul3A_77, %add3A_80] : memref<32x131072xf32, #tpu.memory_space<hbm>> -> memref<2x512xf32, #tpu.memory_space<hbm>>
          %dma_start3A_82 = tpu.memref_slice %arg5[%mul3A_77, %add3A_80] : memref<32x131072xf32, #tpu.memory_space<hbm>> -> memref<2x512xf32, #tpu.memory_space<hbm>>
          tpu.enqueue_dma source(%arg15 : memref<2x512xf32, #tpu.memory_space<vmem>>) target(%dma_start3A_82 : memref<2x512xf32, #tpu.memory_space<hbm>>) target_semaphore(%run_scoped3A : memref<!tpu.dma_semaphore, #tpu.memory_space<semaphore_mem>>)
          %dma_wait3A_83 = tpu.memref_slice %arg5[%mul3A_77, %add3A_80] : memref<32x131072xf32, #tpu.memory_space<hbm>> -> memref<2x512xf32, #tpu.memory_space<hbm>>
          %dma_wait3A_84 = tpu.memref_slice %arg5[%mul3A_77, %add3A_80] : memref<32x131072xf32, #tpu.memory_space<hbm>> -> memref<2x512xf32, #tpu.memory_space<hbm>>
          tpu.wait_dma2 semaphore(%run_scoped3A : memref<!tpu.dma_semaphore, #tpu.memory_space<semaphore_mem>>) src(%arg15 : memref<2x512xf32, #tpu.memory_space<vmem>>) dst(%dma_wait3A_84 : memref<2x512xf32, #tpu.memory_space<hbm>>)
          tpu.yield
        }) : () -> ()
      }
      %scan3A_40 = arith.constant 4 : i32
    }
    %scan3A_15 = arith.constant 16 : i32
    return
  }
}

</mosaic_0001>

<sc_bundles>
// kernel: kernel.3.cloned.1.call-start
scs
__scs_entry_jumppad:
0x0: {  	(pc) =	sbr.rel $0x88, $3  }
0x1: {  	(tag) =	ssettag $0x0;
	lr =	simm.s32 $0x1  }
0x2: {  	[smem:$0x3F9F] =	sst lr;
	_ =	strace $0xD0000000  }
0x3: {  	_ = 	snop  }
0x4: {  	_ = 	snop  }
0x5: {  	_ = 	snop  }
0x6: {  	_ = 	snop  }
0x7: {  	_ = 	snop  }
__scs_overlays_trampoline_lowered:
0x8: {  	[smem:$0x3FAE] =	sst s0  }
0x9: {  	[smem:$0x3FAF] =	sst s1  }
0xa: {  	[smem:$0x3FB0] =	sst s2  }
0xb: {  	[smem:$0x3FB1] =	sst s3  }
0xc: {  	[smem:$0x3FB2] =	sst s4  }
0xd: {  	[smem:$0x3FB3] =	sst s5  }
0xe: {  	[smem:$0x3FB4] =	sst s6  }
0xf: {  	[smem:$0x3FB5] =	sst s7  }
0x10: {  	[smem:$0x3FB6] =	sst s8  }
0x11: {  	[smem:$0x3FB7] =	sst s9;
	s0 =	simm.s32 @!p0 $0x0  }
0x12: {  	s1 =	sld [smem:$0x3F9D];
	s0 =	simm.s32 @p0 $0x1  }
0x13: {  	[smem:$0x3FB8] =	sst s0;
	s0 =	simm.s32 @!p1 $0x0  }
0x14: {  	s2 =	sld [smem:$0x3F9C];
	s0 =	simm.s32 @p1 $0x1  }
0x15: {  	[smem:$0x3FB9] =	sst s0;
	s0 =	simm.s32 @!p2 $0x0  }
0x16: {  	s3 =	sld [smem:$0x3FDB];
	s0 =	simm.s32 @p2 $0x1  }
0x17: {  	s4 =	simm.s32 $0x1BF5;
	[smem:$0x3FBB] =	sst s0  }
0x18: {  	s0 =	sld [smem:$0x3F9E];
	_ =	swait.ge [sflag:s4], $0x0  }
0x19: {  	s7 =	sld [smem:$0x3F9F]  }
0x1a: {  	s8 =	sadd.s32 $0xFFFFE003, lr  }
0x1b: {  	s9 =	sadd.s32 $0xFFFFFEF7, lr;
	s5 =	simm.s32 $0xFFFFFFFF;
	p2 =	slt.u32 s8, $0xFFFFF086  }
0x1c: {  	p1 =	slt.u32 s9, $0xF7A;
	s5 =	simm.s32 @!p2 $0x0  }
0x1d: {  	s5 =	simm.s32 @p1 $0x1;
	p0 =	seq.s32 s7, s2  }
0x1e: {  	s7 =	smul.u32 @!p0 $0xF7A, s2;
	p2 =	seq.s32 @!p0 s5, $0x0  }
0x1f: {  	s9 =	smul.u32 $0xF7A, s1;
	s8 =	simm.s32 @!p0 $0x1BF5;
	p2 =	por !p2, p0  }
0x20: {  	[sflag:s8] =	ssyncset.s32 @!p0 $0xFFFFF086;
	s6 =	sadd.s32 @!p0 s3, s7;
	s7 =	simm.s32 @!p0 $0x108  }
0x21: {  	s3 =	sadd.s32 s3, s9;
	s6 =	sadd.s32 @!p0 $0x88, s6;
	s7 =	simm.s32 @p2 $0x1082  }
0x22: {  	[simem:s7], [sflag:s8] =	dma.local @!p0 [hbm:s6], $0xF7A  }
0x23: {  	s9 =	sor.u32 $0xD0000000, s2;
	s6 =	simm.s32 $0x108;
	_ =	swait.ge @!p0 [sflag:s8], $0x0  }
0x24: {  	s3 =	sadd.s32 $0x88, s3;
	s6 =	simm.s32 @!p1 $0x1082;
	[sflag:s4] =	ssyncset.s32 $0xFFFFF086  }
0x25: {  	[simem:s6], [sflag:s4] =	dma.local [hbm:s3], $0xF7A  }
0x26: {  	[smem:$0x3F9F] =	sst s1;
	(tag) =	ssettag s2;
	_ =	strace s9  }
0x27: {  	s1 =	sld [smem:$0x3FAF]  }
0x28: {  	s2 =	sld [smem:$0x3FB0]  }
0x29: {  	s4 =	sld [smem:$0x3FB2]  }
0x2a: {  	p0 =	seq.s32 s5, $0x0;
	s5 =	sld [smem:$0x3FB3]  }
0x2b: {  	s6 =	sld [smem:$0x3FB4]  }
0x2c: {  	s7 =	sld [smem:$0x3FB5]  }
0x2d: {  	s3 =	simm.s32 $0x108;
	s8 =	sld [smem:$0x3FB6]  }
0x2e: {  	s3 =	simm.s32 @!p0 $0x1082;
	s9 =	sld [smem:$0x3FB7]  }
0x2f: {  	lr =	sadd.s32 s0, s3;
	s0 =	sld [smem:$0x3FAE]  }
0x30: {  	s3 =	sld [smem:$0x3FB1]  }
0x31: {  	[smem:$0x3FBA] =	sst s10  }
0x32: {  	s10 =	sld [smem:$0x3FB8];
	_ =	sdelay $0x3  }
0x33: {  	p0 =	seq.s32 s10, $0x1;
	s10 =	sld [smem:$0x3FBA];
	_ =	sdelay $0x3  }
0x34: {  	[smem:$0x3FBA] =	sst s10  }
0x35: {  	s10 =	sld [smem:$0x3FB9];
	_ =	sdelay $0x3  }
0x36: {  	p1 =	seq.s32 s10, $0x1;
	s10 =	sld [smem:$0x3FBA];
	_ =	sdelay $0x3  }
0x37: {  	[smem:$0x3FBA] =	sst s10  }
0x38: {  	s10 =	sld [smem:$0x3FBB]  }
0x39: {  	_ = 	snop;
	(pc) =	sbr.ind lr, $3  }
0x3a: {  	_ = 	snop  }
0x3b: {  	_ = 	snop  }
0x3c: {  	p2 =	seq.s32 s10, $0x1;
	s10 =	sld [smem:$0x3FBA]  }
0x3d: {  	_ =	shalt  }
0x3e: {  	_ =	shalt  }
0x3f: {  	_ =	shalt  }
0x40: {  	_ =	shalt  }
0x41: {  	_ =	shalt  }
0x42: {  	_ =	shalt  }
0x43: {  	_ =	shalt  }
0x44: {  	_ =	shalt  }
0x45: {  	_ =	shalt  }
0x46: {  	_ =	shalt  }
0x47: {  	_ =	shalt  }
0x48: {  	_ =	shalt  }
0x49: {  	_ =	shalt  }
0x4a: {  	_ =	shalt  }
0x4b: {  	_ =	shalt  }
0x4c: {  	_ =	shalt  }
0x4d: {  	_ =	shalt  }
0x4e: {  	_ =	shalt  }
0x4f: {  	_ =	shalt  }
0x50: {  	_ =	shalt  }
0x51: {  	_ =	shalt  }
0x52: {  	_ =	shalt  }
0x53: {  	_ =	shalt  }
0x54: {  	_ =	shalt  }
0x55: {  	_ =	shalt  }
0x56: {  	_ =	shalt  }
0x57: {  	_ =	shalt  }
0x58: {  	_ =	shalt  }
0x59: {  	_ =	shalt  }
0x5a: {  	_ =	shalt  }
0x5b: {  	_ =	shalt  }
0x5c: {  	_ =	shalt  }
0x5d: {  	_ =	shalt  }
0x5e: {  	_ =	shalt  }
0x5f: {  	_ =	shalt  }
0x60: {  	_ =	shalt  }
0x61: {  	_ =	shalt  }
0x62: {  	_ =	shalt  }
0x63: {  	_ =	shalt  }
0x64: {  	_ =	shalt  }
0x65: {  	_ =	shalt  }
0x66: {  	_ =	shalt  }
0x67: {  	_ =	shalt  }
0x68: {  	_ =	shalt  }
0x69: {  	_ =	shalt  }
0x6a: {  	_ =	shalt  }
0x6b: {  	_ =	shalt  }
0x6c: {  	_ =	shalt  }
0x6d: {  	_ =	shalt  }
0x6e: {  	_ =	shalt  }
0x6f: {  	_ =	shalt  }
0x70: {  	_ =	shalt  }
0x71: {  	_ =	shalt  }
0x72: {  	_ =	shalt  }
0x73: {  	_ =	shalt  }
0x74: {  	_ =	shalt  }
0x75: {  	_ =	shalt  }
0x76: {  	_ =	shalt  }
0x77: {  	_ =	shalt  }
0x78: {  	_ =	shalt  }
0x79: {  	_ =	shalt  }
0x7a: {  	_ =	shalt  }
0x7b: {  	_ =	shalt  }
0x7c: {  	_ =	shalt  }
0x7d: {  	_ =	shalt  }
0x7e: {  	_ =	shalt  }
0x7f: {  	_ =	shalt  }
0x80: {  	_ =	shalt  }
0x81: {  	_ =	shalt  }
0x82: {  	_ =	shalt  }
0x83: {  	_ =	shalt  }
0x84: {  	_ =	shalt  }
0x85: {  	_ =	shalt  }
0x86: {  	_ =	shalt  }
0x87: {  	_ =	shalt  }
.Lfunc_end0:
.L_simem_size_0:
called_computation_lowered:
.L_overlay_start_0:
0x88: {  	s2 =	sld [smem:$0x3FD9]  }
0x89: {  	s3 =	sld [smem:$0x3FFE];
	_ =	sdelay $0x1  }
0x8a: {  	s1 =	srdreg.scid  }
0x8b: {  	s0 =	sand.u32 $0x1, s1  }
0x8c: {  	s17 =	sshll.u32 s0, $0xA;
	s2 =	sadd.s32 s3, s2  }
0x8d: {  	s2 =	sadd.s32 s2, s17  }
0x8e: {  	[smem:$0x3FC6] =	sst s2  }
0x8f: {  	_ = 	snop  }
0x90: {  	s2 =	sld [smem:$0x3FD0];
	(tm) =	ssettm $0x1  }
0x91: {  	s18 =	sld [smem:$0x3FFB];
	_ =	sdelay $0x3  }
0x92: {  	_ =	strace s18  }
0x93: {  	s3 =	sld [smem:$0x3FFC];
	_ =	sdelay $0x3  }
0x94: {  	_ =	strace s3  }
0x95: {  	s3 =	sld [smem:$0x3FFD];
	_ =	sdelay $0x3  }
0x96: {  	_ =	strace s3  }
0x97: {  	_ =	strace $0x8FFFFFFF  }
0x98: {  	s19 =	sld [smem:$0x3FDB];
	_ =	sdelay $0x1  }
0x99: {  	s4 =	simm.s32 $_scs_section_size  }
0x9a: {  	s5 =	simm.s32 $_size__tile_overlayer_lowered;
	s6 =	simm.s32 $_tile_overlayer_lowered  }
0x9b: {  	s22 =	simm.s32 $0x1BFF;
	s21 =	sshll.u32 s6, $0x1;
	s3 =	sadd.s32 s4, s19  }
0x9c: {  	s7 =	simm.s32 $0x0;
	s20 =	sshll.u32 s5, $0x1;
	s5 =	sadd.s32 s21, s3  }
0x9d: {  	[timem:s7], [sflag:s22] =	dma.local [hbm:s5], s20  }
0x9e: {  	_ =	swait.ge [sflag:s22], s20  }
0x9f: {  	s4 =	ssub.s32 $0x0, s20;
	[sflag:s22] =	ssyncset.done $0x0  }
0xa0: {  	[sflag:s22] =	ssyncadd.s32 s4;
	_ =	sdelay $0x1  }
0xa1: {  	s23 =	simm.s32 $0x1B8B  }
0xa2: {  	_ =	swait.ge [sflag:s23], $0x1  }
0xa3: {  	[sflag:s23] =	ssyncset.done $0x0  }
0xa4: {  	s25 =	simm.s32 $0x1B8E;
	s24 =	sld [smem:$0x3FFE];
	[sflag:s23] =	ssyncadd.s32 $0xFFFFFFFF  }
0xa5: {  	s26 =	simm.s32 $execute0_lowered;
	[smem:$0x3FD2] =	sst s25  }
0xa6: {  	s5 =	sshll.u32 s26, $0x1;
	_ =	strace $0x80000046;
	[dreg:$0x1] =	wrdreg $0xFFFFFFFF  }
0xa7: {  	s28 =	simm.s32 $_size_execute0_lowered;
	s3 =	sadd.s32 s3, s5;
	[dreg:$0x0] =	wrdreg $0x0  }
0xa8: {  	s5 =	sshll.u32 s28, $0x1;
	[dreg:$0x2] =	wrdreg s3  }
0xa9: {  	[dreg:$0x3] =	wrdreg s5  }
0xaa: {  	[dreg:$0x4] =	wrdreg $0xC0  }
0xab: {  	_ =	task [dreg:s7], $0x5FFFF  }
0xac: {  	[dreg:$0x1] =	wrdreg $0xFFFFFFFF  }
0xad: {  	[dreg:$0x0] =	wrdreg $0x60  }
0xae: {  	[dreg:$0x2] =	wrdreg s24  }
0xaf: {  	[dreg:$0x3] =	wrdreg s2  }
0xb0: {  	[dreg:$0x4] =	wrdreg $0x0  }
0xb1: {  	[dreg:$0x5] =	wrdreg $0x9  }
0xb2: {  	_ =	task.clear_ibuf [dreg:s7], $0x6FFFF;
	_ =	strace $0x90000046  }
0xb3: {  	s29 =	simm.s32 $0x9;
	_ =	strace $0x80000048  }
0xb4: {  	_ =	swait.ge [sflag:s29], $0x1  }
0xb5: {  	[sflag:s29] =	ssyncadd.s32 $0xFFFFFFFF  }
0xb6: {  	_ =	strace $0x90000048  }
0xb7: {  	_ =	sfence  }
0xb8: {  	s30 =	sld [smem:$0x0];
	_ =	sdelay $0x2  }
0xb9: {  	s31 =	sshll.u32 s1, $0xD;
	s1 =	sshrl.u32 s1, $0x2  }
0xba: {  	s3 =	sand.u32 $0x4000, s31;
	s1 =	sadd.s32 s1, s30  }
0xbb: {  	s0 =	sor.u32 s3, s0;
	s1 =	sshll.u32 s1, $0x11  }
0xbc: {  	s0 =	sor.u32 s1, s0  }
0xbd: {  	s0 =	sadd.s32 $0x8F2B, s0  }
0xbe: {  	[sflag:s0] =	ssyncadd.remote.s32 $0x1  }
0xbf: {  	_ =	sfence.sel $0xFFFF  }
0xc0: {  	[dreg:$0x0] =	wrdreg $0xFFFFFFFF;
	(pc) =	sbr.abs _section_cstart, $3  }
0xc1: {  	[dreg:$0x1] =	wrdreg $0xFFFFFFFF  }
0xc2: {  	_ =	task.clear_ibuf [dreg:s7], $0x2FFFF;
	_ =	strace $0x9FFFFFFF  }
0xc3: {  	(tm) =	ssettm $0x7FFFFFFF  }
tec
execute0_lowered:
.L_overlay_start_1:
0x0: {  	(tag) =	ssettag $0x1  }
0x1: {  	s1 =	rddreg [dreg:$0x0];
	s2 =	srdreg.scid  }
0x2: {  	s0 =	rddreg [dreg:$0x1];
	s3 =	stileid.u32;
	s7 =	simm.s32 $0x0  }
0x3: {  	s14 =	simm.s32 $0x4;
	s28 =	simm.s32 $0x17D00;
	s29 =	simm.s32 $0x2  }
0x4: {  	s4 =	sand.u32 $0x1, s2;
	s2 =	rddreg [dreg:$0x2];
	s5 =	sshll.u32 s3, $0xD  }
0x5: {  	[smem:$0x7FF] =	sst s7;
	s22 =	sadd.s32 $0x200600, s1;
	s23 =	sadd.s32 $0xC600, s1  }
0x6: {  	s6 =	sshll.u32 s4, $0xC;
	_ =	strace $0x80000047;
	[dreg:$0x4] =	wrdreg s22  }
0x7: {  	s4 =	ssub.s32 $0x2, s4;
	[dreg:$0x5] =	wrdreg s23;
	s5 =	sor.u32 s6, s5  }
0x8: {  	s24 =	sshrl.u32 s4, $0x1;
	s6 =	sshrl.u32 s5, $0x3;
	s30 =	sshll.u32 s5, $0x3  }
0x9: {  	s4 =	ssub.s32 s4, s24;
	s0 =	sadd.s32 s0, s5;
	[dreg:$0xa] =	wrdreg s30  }
0xa: {  	s6 =	sadd.s32 s6, s1;
	s1 =	sadd.s32 $0x210600, s1;
	[dreg:$0xc] =	wrdreg s0  }
0xb: {  	p0 =	sne.s32 s3, $0x0;
	s31 =	smax.u32 s4, $0x1;
	[dreg:$0x9] =	wrdreg s1  }
0xc: {  	s16 =	simm.s32 $0x0;
	s0 =	sshrl.u32 @!p0 s2, $0x3;
	[dreg:$0xb] =	wrdreg s31  }
0xd: {  	p1 =	seq.s32 s3, $0x0;
	s25 =	sadd.s32 $0x600, s6;
	[dreg:$0xd] =	wrdreg s0  }
0xe: {  	s24 =	simm.s32 $0x1;
	s26 =	sadd.s32 $0x4600, s6;
	[dreg:$0x6] =	wrdreg s25  }
0xf: {  	s6 =	sadd.s32 $0x8600, s6;
	s1 =	simm.s32 $0x0;
	[dreg:$0x7] =	wrdreg s26  }
0x10: {  	v0 =	vimm.s32 $0x0;
	[dreg:$0x8] =	wrdreg s6;
	s25 =	simm.s32 $0x100;
	s26 =	simm.s32 $0x400  }
.LBB2_1:
0x11: {  	[dreg:$0xe] =	wrdreg s1  }
0x12: {  	s0 =	simm.s32 $0x0;
	s19 =	rddreg [dreg:$0x5];
	s2 =	simm.s32 $0x13000  }
0x13: {  	[tilespmem:s2], [sflag:$0x4] =	stream.linear.gather [hbm4b:s19+s0], $0x100, $0x38;
	[tilespmem:$0x18100] =	vst v63  }
0x14: {  	_ =	swait.ge [sflag:s14], $0x100  }
0x15: {  	[sflag:s14] =	ssyncset.done $0x0  }
0x16: {  	s21 =	simm.s32 $0x10000;
	s20 =	rddreg [dreg:$0x6];
	[sflag:s14] =	ssyncadd.s32 $0xFFFFFF00  }
0x17: {  	[tilespmem:s21], [sflag:$0x4] =	stream.linear.gather [hbm4b:s20+s0], $0x1000, $0x38;
	[tilespmem:$0x18100] =	vst v63  }
0x18: {  	_ =	swait.ge [sflag:s14], $0x1000  }
0x19: {  	[sflag:s14] =	ssyncset.done $0x0  }
0x1a: {  	s23 =	simm.s32 $0x11000;
	s22 =	rddreg [dreg:$0x7];
	[sflag:s14] =	ssyncadd.s32 $0xFFFFF000  }
0x1b: {  	[tilespmem:s23], [sflag:$0x4] =	stream.linear.gather [hbm4b:s22+s0], $0x1000, $0x38;
	[tilespmem:$0x18100] =	vst v63  }
0x1c: {  	_ =	swait.ge [sflag:s14], $0x1000  }
0x1d: {  	[sflag:s14] =	ssyncset.done $0x0  }
0x1e: {  	s31 =	simm.s32 $0x12000;
	s30 =	rddreg [dreg:$0x8];
	[sflag:s14] =	ssyncadd.s32 $0xFFFFF000  }
0x1f: {  	[tilespmem:s31], [sflag:$0x4] =	stream.linear.gather [hbm4b:s30+s0], $0x1000, $0x38;
	[tilespmem:$0x18100] =	vst v63  }
0x20: {  	_ =	swait.ge [sflag:s14], $0x1000  }
0x21: {  	s1 =	simm.s32 @!p0 $0x1C03;
	[sflag:s14] =	ssyncset.done $0x0;
	s0 =	rddreg [dreg:$0x4]  }
0x22: {  	s10 =	simm.s32 $0x0;
	s2 =	rddreg [dreg:$0xd];
	[sflag:s14] =	ssyncadd.s32 $0xFFFFF000  }
0x23: {  	[spmem:s2], [sflag:s1] =	dma.local @!p0 [hbm:s0], $0x10000  }
.LBB2_2:
0x24: {  	s1 =	simm.s32 @p1 $0x3  }
0x25: {  	_ =	swait.ge @p1 [sflag:s1], $0x10000  }
0x26: {  	p2 =	seq.s32 @p1 s10, $0xF;
	[sflag:s1] =	ssyncset.done @p1 $0x0  }
0x27: {  	s3 =	sand.u32 $0x1, s10;
	p2 =	por p2, !p1;
	[sflag:s1] =	ssyncadd.s32 @p1 $0xFFFF0000  }
0x28: {  	s4 =	sshll.u32 @!p2 s3, $0x13;
	[bflag:$0x0] =	sbarrier.arrive @p1 $0xFFFF  }
0x29: {  	s31 =	sshll.u32 s10, $0x6;
	s1 =	sxor.u32 @!p2 $0x80000, s4;
	s0 =	rddreg [dreg:$0x2]  }
0x2a: {  	s4 =	sshll.u32 @!p2 s10, $0x10;
	s1 =	sadd.s32 @!p2 s1, s0;
	s0 =	rddreg [dreg:$0x9]  }
0x2b: {  	s5 =	simm.s32 @!p2 $0x1C03;
	s4 =	sadd.s32 @!p2 s4, s0;
	s1 =	sshrl.u32 @!p2 s1, $0x3  }
0x2c: {  	[spmem:s1], [sflag:s5] =	dma.local @!p2 [hbm:s4], $0x10000  }
0x2d: {  	s1 =	sshrl.u32 s31, $0x2;
	[bflag:$0x0] =	sbarrier.arrive @!p1 $0xFFFF  }
0x2e: {  	s6 =	simm.s32 $0x0;
	s5 =	simm.s32 $0x10000;
	v4 =	vld [tilespmem:s1+$0x13000]  }
0x2f: {  	s4 =	sand.u32 $0x1E0, s6;
	v1 =	vld [tilespmem:s5+$0x0]  }
0x30: {  	v3 =	vld [tilespmem:s4+$0x11000]  }
0x31: {  	v2 =	vld [tilespmem:s4+$0x12000];
	_ =	sdelay $0x1  }
0x32: {  	v5 =	vld [tilespmem:s5+$0x1010]  }
0x33: {  	v6 =	vmul.f32 v4, v1  }
0x34: {  	v1 =	vld [tilespmem:s5+$0x2010];
	v8 =	vmul.f32 v4, v3  }
0x35: {  	v9 =	vld [tilespmem:s5+$0x10];
	v7 =	vmul.f32 v4, v2;
	v2 =	vtrunc.f32 v6  }
0x36: {  	v3 =	vtrunc.f32 v8;
	v10 =	vcvt.f32.s32 v2  }
0x37: {  	v2 =	vmul.f32 v5, v4;
	v5 =	vtrunc.f32 v7  }
0x38: {  	v11 =	vcvt.f32.s32 v3;
	v5 =	vcvt.f32.s32 v5  }
0x39: {  	s3 =	sshll.u32 s3, $0x13;
	v12 =	vcvt.s32.f32 v10;
	v3 =	vmul.f32 v1, v4  }
0x3a: {  	v1 =	vmov s3;
	v13 =	vcvt.s32.f32 v11;
	v4 =	vmul.f32 v9, v4  }
0x3b: {  	v15 =	vmul.u32 $0x9E3779B1, v11;
	v9 =	vtrunc.f32 v2;
	v14 =	vcvt.s32.f32 v5  }
0x3c: {  	v18 =	vmul.u32 $0x30025795, v5;
	v9 =	vcvt.f32.s32 v9;
	vm0 =	vgt.f32 v8, v13  }
0x3d: {  	v16 =	vsub.f32 v6, v12;
	vm2 =	vgt.f32 v6, v12;
	v13 =	vsub.f32 v8, v13  }
0x3e: {  	v8 =	vxor.u32 v10, v15;
	vm1 =	vgt.f32 v7, v14;
	v6 =	vsel vm0, $0x1, v0  }
0x3f: {  	v17 =	vsel vm2, $0x1, v0;
	v12 =	vsel vm1, $0x1, v0;
	v6 =	vadd.s32 v11, v6  }
0x40: {  	v11 =	vadd.s32 v5, v12;
	v12 =	vadd.s32 v10, v17;
	v17 =	vmul.u32 $0x9E3779B1, v6  }
0x41: {  	v14 =	vsub.f32 v7, v14;
	v23 =	vmul.u32 $0x9E3779B1, v9;
	v11 =	vmul.u32 $0x30025795, v11  }
0x42: {  	v19 =	vxor.u32 v15, v12;
	v15 =	vtrunc.f32 v3;
	v5 =	vxor.u32 v12, v17  }
0x43: {  	v15 =	vcvt.f32.s32 v15;
	v10 =	vxor.u32 v10, v17;
	v6 =	vxor.u32 v11, v19  }
0x44: {  	v7 =	vxor.u32 v11, v5;
	v5 =	vxor.u32 v18, v5;
	v27 =	vxor.u32 v11, v10  }
0x45: {  	v6 =	vand.u32 $0x7FFFF, v6;
	v7 =	vand.u32 $0x7FFFF, v7;
	v5 =	vand.u32 $0x7FFFF, v5  }
0x46: {  	v12 =	vor.u32 v1, v6;
	v6 =	vxor.u32 v18, v8;
	v20 =	vor.u32 v1, v7  }
0x47: {  	v21 =	vor.u32 v1, v5;
	v5 =	vcvt.s32.f32 v9;
	v7 =	vtrunc.f32 v4  }
0x48: {  	v25 =	vmul.u32 $0x30025795, v15;
	v6 =	vand.u32 $0x7FFFF, v6;
	v24 =	vcvt.f32.s32 v7  }
0x49: {  	v22 =	vor.u32 v1, v6;
	v6 =	vcvt.s32.f32 v15;
	vm13 =	vgt.f32 v2, v5  }
0x4a: {  	v8 =	vxor.u32 v8, v11;
	v17 =	vsel vm13, $0x1, v0;
	v7 =	vcvt.s32.f32 v24  }
0x4b: {  	s8 =	simm.s32 $0x13310;
	v26 =	vxor.u32 v24, v23;
	vm14 =	vgt.f32 v3, v6;
	v9 =	vadd.s32 v9, v17  }
0x4c: {  	[tilespmem:s8+$0xFFFFFDF0] =	vst v16;
	v17 =	vsel vm14, $0x1, v0;
	vm15 =	vgt.f32 v4, v7;
	v9 =	vmul.u32 $0x9E3779B1, v9  }
0x4d: {  	[tilespmem:s8+$0xFFFFFFF0] =	vst v13;
	v17 =	vadd.s32 v15, v17;
	v15 =	vxor.u32 v18, v10;
	v10 =	vsel vm15, $0x1, v0  }
0x4e: {  	s7 =	simm.s32 $0x13D00;
	[tilespmem:s8+$0x1F0] =	vst v14;
	v18 =	vxor.u32 v18, v19;
	v10 =	vadd.s32 v24, v10;
	v11 =	vmul.u32 $0x30025795, v17  }
0x4f: {  	[tilespmem:s7+$0x400] =	vst v12;
	v19 =	vand.u32 $0x7FFFF, v27;
	v13 =	vxor.u32 v24, v9;
	v12 =	vxor.u32 v10, v9  }
0x50: {  	[tilespmem:s7+$0x0] =	vst v20;
	v10 =	vxor.u32 v23, v10;
	v9 =	vxor.u32 v25, v13;
	v17 =	vxor.u32 v11, v12  }
0x51: {  	[tilespmem:s7+$0x200] =	vst v21;
	v16 =	vxor.u32 v25, v12;
	v14 =	vxor.u32 v11, v13;
	v13 =	vxor.u32 v10, v11  }
0x52: {  	s3 =	simm.s32 $0x0;
	[tilespmem:s4+$0x14B00] =	vst v22;
	v11 =	vxor.u32 v26, v11;
	v12 =	vxor.u32 v25, v10;
	v10 =	vxor.u32 v25, v26  }
.LBB2_3:
0x53: {  	v20 =	vld [tilespmem:s1+$0x13000];
	v15 =	vand.u32 $0x7FFFF, v15;
	v8 =	vand.u32 $0x7FFFF, v8;
	v17 =	vand.u32 $0x7FFFF, v17;
	s5 =	sadd.s32 $0x20, s5;
	s6 =	sadd.s32 $0x20, s6  }
0x54: {  	v16 =	vand.u32 $0x7FFFF, v16;
	v14 =	vand.u32 $0x7FFFF, v14;
	v9 =	vand.u32 $0x7FFFF, v9;
	v21 =	vld [tilespmem:s5+$0x0];
	s9 =	sand.u32 $0x1E0, s6  }
0x55: {  	v18 =	vand.u32 $0x7FFFF, v18;
	v13 =	vand.u32 $0x7FFFF, v13;
	v11 =	vand.u32 $0x7FFFF, v11;
	v22 =	vld [tilespmem:s9+$0x12000]  }
0x56: {  	v4 =	vsub.f32 v4, v7;
	v7 =	vand.u32 $0x7FFFF, v12;
	v10 =	vand.u32 $0x7FFFF, v10;
	v23 =	vld [tilespmem:s9+$0x11000]  }
0x57: {  	s3 =	sadd.s32 $0x2, s3;
	v19 =	vor.u32 v1, v19;
	v5 =	vsub.f32 v2, v5;
	v3 =	vsub.f32 v3, v6;
	v12 =	vld [tilespmem:s5+$0x1010]  }
0x58: {  	p2 =	slt.u32 s3, $0x1E;
	v2 =	vor.u32 v1, v15;
	v8 =	vor.u32 v1, v8;
	v15 =	vor.u32 v1, v17;
	v6 =	vld [tilespmem:s5+$0x2010];
	[tilespmem:s4+$0x14300] =	vst v19  }
0x59: {  	v16 =	vor.u32 v1, v16;
	v14 =	vor.u32 v1, v14;
	v17 =	vmul.f32 v20, v21;
	v19 =	vld [tilespmem:s5+$0x10];
	[tilespmem:s4+$0x14700] =	vst v2  }
0x5a: {  	v9 =	vor.u32 v1, v9;
	v21 =	vmul.f32 v20, v22;
	[tilespmem:s4+$0x14900] =	vst v8;
	v8 =	vor.u32 v1, v13  }
0x5b: {  	v11 =	vor.u32 v1, v11;
	v13 =	vmul.f32 v20, v23;
	v2 =	vtrunc.f32 v17;
	[tilespmem:s8+$0xFFFFFE00] =	vst v4  }
0x5c: {  	v4 =	vor.u32 v1, v18;
	v22 =	vcvt.f32.s32 v2;
	v2 =	vmul.f32 v12, v20;
	[tilespmem:s8+$0x0] =	vst v5  }
0x5d: {  	v7 =	vor.u32 v1, v7;
	v12 =	vtrunc.f32 v21;
	v5 =	vtrunc.f32 v13;
	[tilespmem:s4+$0x14500] =	vst v4;
	s4 =	smov.u32 s9  }
0x5e: {  	v10 =	vor.u32 v1, v10;
	v12 =	vcvt.f32.s32 v12;
	v5 =	vcvt.f32.s32 v5;
	[tilespmem:s8+$0x200] =	vst v3  }
0x5f: {  	v18 =	vcvt.s32.f32 v22;
	v3 =	vmul.f32 v6, v20;
	[tilespmem:s7+$0x10] =	vst v15  }
0x60: {  	v15 =	vcvt.s32.f32 v12;
	v6 =	vcvt.s32.f32 v5;
	[tilespmem:s7+$0x210] =	vst v16  }
0x61: {  	v4 =	vmul.f32 v19, v20;
	v19 =	vtrunc.f32 v2;
	v16 =	vmul.u32 $0x9E3779B1, v5;
	[tilespmem:s7+$0x610] =	vst v14  }
0x62: {  	vm1 =	vgt.f32 v21, v15;
	v14 =	vsub.f32 v17, v18;
	vm0 =	vgt.f32 v13, v6;
	[tilespmem:s7+$0xA10] =	vst v9  }
0x63: {  	vm2 =	vgt.f32 v17, v18;
	v17 =	vsel vm1, $0x1, v0;
	v9 =	vsel vm0, $0x1, v0;
	[tilespmem:s7+$0x410] =	vst v8  }
0x64: {  	v8 =	vsel vm2, $0x1, v0;
	v5 =	vadd.s32 v5, v9;
	v9 =	vadd.s32 v12, v17;
	[tilespmem:s7+$0xC10] =	vst v11  }
0x65: {  	v8 =	vadd.s32 v22, v8;
	v11 =	vmul.u32 $0x9E3779B1, v5;
	v9 =	vmul.u32 $0x30025795, v9;
	[tilespmem:s7+$0x810] =	vst v7  }
0x66: {  	s8 =	sadd.s32 $0x20, s8;
	v12 =	vmul.u32 $0x30025795, v12;
	v5 =	vsub.f32 v13, v6;
	v13 =	vxor.u32 v16, v8;
	[tilespmem:s7+$0xE10] =	vst v10  }
0x67: {  	v6 =	vsub.f32 v21, v15;
	[tilespmem:s8+$0xFFFFFDF0] =	vst v14;
	v7 =	vxor.u32 v8, v11;
	v8 =	vxor.u32 v9, v13  }
0x68: {  	v10 =	vxor.u32 v22, v16;
	[tilespmem:s8+$0xFFFFFFF0] =	vst v5;
	v5 =	vxor.u32 v9, v7;
	v8 =	vand.u32 $0x7FFFF, v8  }
0x69: {  	s7 =	sadd.s32 $0x20, s7;
	[tilespmem:s8+$0x1F0] =	vst v6;
	v6 =	vxor.u32 v12, v7;
	v5 =	vand.u32 $0x7FFFF, v5;
	v7 =	vor.u32 v1, v8  }
0x6a: {  	v8 =	vxor.u32 v12, v10;
	v5 =	vor.u32 v1, v5;
	v6 =	vand.u32 $0x7FFFF, v6;
	[tilespmem:s7+$0x400] =	vst v7  }
0x6b: {  	v14 =	vcvt.f32.s32 v19;
	[tilespmem:s7+$0x0] =	vst v5;
	v5 =	vor.u32 v1, v6;
	v6 =	vand.u32 $0x7FFFF, v8  }
0x6c: {  	v7 =	vtrunc.f32 v3;
	[tilespmem:s7+$0x200] =	vst v5;
	v5 =	vor.u32 v1, v6;
	v6 =	vtrunc.f32 v4  }
0x6d: {  	v17 =	vmul.u32 $0x9E3779B1, v14;
	v16 =	vcvt.f32.s32 v7;
	[tilespmem:s4+$0x14B00] =	vst v5;
	v5 =	vcvt.s32.f32 v14  }
0x6e: {  	v11 =	vxor.u32 v22, v11;
	v8 =	vxor.u32 v10, v9;
	v10 =	vcvt.f32.s32 v6  }
0x6f: {  	v6 =	vcvt.s32.f32 v16;
	v20 =	vmul.u32 $0x30025795, v16;
	vm0 =	vgt.f32 v2, v5  }
0x70: {  	v7 =	vcvt.s32.f32 v10;
	v21 =	vxor.u32 v10, v17;
	v15 =	vsel vm0, $0x1, v0  }
0x71: {  	v19 =	vxor.u32 v9, v11;
	vm0 =	vgt.f32 v3, v6;
	v9 =	vadd.s32 v14, v15  }
0x72: {  	vm1 =	vgt.f32 v4, v7;
	v14 =	vsel vm0, $0x1, v0;
	v9 =	vmul.u32 $0x9E3779B1, v9  }
0x73: {  	v15 =	vxor.u32 v12, v11;
	v11 =	vsel vm1, $0x1, v0;
	v14 =	vadd.s32 v16, v14  }
.Ltmp0:
0x74: {  	v11 =	vadd.s32 v10, v11;
	v22 =	vmul.u32 $0x30025795, v14;
	v10 =	vxor.u32 v10, v9;
	(pc) =	sbr.rel @p2 .LBB2_3-.Ltmp0, $4  }
0x75: {  	v14 =	vxor.u32 v11, v9;
	v23 =	vxor.u32 v17, v11;
	v9 =	vxor.u32 v20, v10  }
0x76: {  	v17 =	vxor.u32 v22, v14;
	v16 =	vxor.u32 v20, v14;
	v14 =	vxor.u32 v22, v10  }
0x77: {  	v18 =	vxor.u32 v12, v13;
	v13 =	vxor.u32 v23, v22;
	v11 =	vxor.u32 v21, v22  }
0x78: {  	v19 =	vand.u32 $0x7FFFF, v19;
	v12 =	vxor.u32 v20, v23;
	v10 =	vxor.u32 v20, v21  }
0x79: {  	v15 =	vand.u32 $0x7FFFF, v15;
	v19 =	vor.u32 v1, v19  }
0x7a: {  	v8 =	vand.u32 $0x7FFFF, v8;
	[tilespmem:s4+$0x14300] =	vst v19;
	v15 =	vor.u32 v1, v15  }
0x7b: {  	v4 =	vsub.f32 v4, v7;
	v58 =	vor.u32 v1, v8;
	[tilespmem:s4+$0x14700] =	vst v15  }
0x7c: {  	v2 =	vsub.f32 v2, v5;
	[tilespmem:s4+$0x14900] =	vst v58  }
0x7d: {  	v59 =	vand.u32 $0x7FFFF, v18;
	[tilespmem:s8+$0xFFFFFE00] =	vst v4  }
0x7e: {  	v3 =	vsub.f32 v3, v6;
	v60 =	vor.u32 v1, v59;
	[tilespmem:s8+$0x0] =	vst v2  }
0x7f: {  	v61 =	vand.u32 $0x7FFFF, v16;
	[tilespmem:s4+$0x14500] =	vst v60  }
0x80: {  	v2 =	vand.u32 $0x7FFFF, v17;
	[tilespmem:s8+$0x200] =	vst v3;
	v4 =	vor.u32 v1, v61  }
0x81: {  	v3 =	vand.u32 $0x7FFFF, v14;
	v2 =	vor.u32 v1, v2;
	[tilespmem:s7+$0x210] =	vst v4  }
0x82: {  	v62 =	vand.u32 $0x7FFFF, v13;
	v3 =	vor.u32 v1, v3;
	[tilespmem:s7+$0x10] =	vst v2  }
0x83: {  	v4 =	vor.u32 v1, v62;
	v2 =	vand.u32 $0x7FFFF, v9;
	[tilespmem:s7+$0x610] =	vst v3  }
0x84: {  	v3 =	vand.u32 $0x7FFFF, v11;
	[tilespmem:s7+$0x410] =	vst v4;
	v2 =	vor.u32 v1, v2  }
0x85: {  	v63 =	vand.u32 $0x7FFFF, v10;
	v3 =	vor.u32 v1, v3;
	[tilespmem:s7+$0xA10] =	vst v2  }
0x86: {  	v2 =	vand.u32 $0x7FFFF, v12;
	[tilespmem:s7+$0xC10] =	vst v3;
	v3 =	vor.u32 v1, v63  }
0x87: {  	s0 =	rddreg [dreg:$0x2];
	s2 =	simm.s32 $0x1000;
	s3 =	simm.s32 $0x13D00;
	v2 =	vor.u32 v1, v2;
	[tilespmem:s7+$0xE10] =	vst v3  }
0x88: {  	s21 =	simm.s32 $0x15D00;
	s22 =	sshll.u32 s10, $0x8;
	s23 =	sshll.u32 s10, $0x12;
	[tilespmem:s7+$0x810] =	vst v2  }
0x89: {  	[tilespmem:s21], [sflag:$0x1] =	stream.indirect.gather [spmem:s0], $0x1, s3, s2, $0xb8;
	[tilespmem:$0x18100] =	vst v63  }
0x8a: {  	s4 =	sand.u32 $0x300000, s23;
	s3 =	sand.u32 $0x300, s22  }
0x8b: {  	s30 =	rddreg [dreg:$0xa];
	s3 =	sor.u32 s3, s4  }
0x8c: {  	s31 =	rddreg [dreg:$0xc];
	s13 =	sor.u32 s30, s3;
	s3 =	sshrl.u32 s3, $0x3  }
0x8d: {  	s17 =	simm.s32 $0x0;
	[dreg:$0xf] =	wrdreg s10;
	s15 =	sadd.s32 s31, s3  }
.LBB2_5:
0x8e: {  	s5 =	sshll.u32 s17, $0xA  }
0x8f: {  	s6 =	sand.u32 $0x180, s16;
	s3 =	simm.s32 $0x10;
	s8 =	sadd.s32 $0x10200, s5  }
0x90: {  	s3 =	sand.u32 $0x70, s3;
	s4 =	sadd.s32 s6, s8  }
0x91: {  	s7 =	sand.u32 $0x60, s16;
	v5 =	vld [tilespmem:s1+$0x13000];
	s10 =	sadd.s32 s3, s4  }
0x92: {  	s9 =	sadd.s32 $0x1000, s4;
	s31 =	sadd.s32 s7, s4;
	v2 =	vld [tilespmem:s10+$0x0]  }
0x93: {  	s11 =	sadd.s32 s7, s9;
	v10 =	vld [tilespmem:s31+$0x0]  }
0x94: {  	s22 =	sadd.s32 $0x2000, s4;
	s9 =	sadd.s32 s3, s9;
	v3 =	vld [tilespmem:s11+$0x0]  }
0x95: {  	s3 =	sadd.s32 s3, s22;
	v4 =	vld [tilespmem:s9+$0x0]  }
0x96: {  	s23 =	sadd.s32 s7, s22;
	v6 =	vld [tilespmem:s3+$0x0]  }
0x97: {  	v7 =	vld [tilespmem:s23+$0x0];
	_ =	sdelay $0x2  }
0x98: {  	v9 =	vmul.f32 v2, v5;
	v19 =	vmul.f32 v5, v10  }
0x99: {  	v2 =	vmul.f32 v5, v3;
	v12 =	vmul.f32 v4, v5  }
0x9a: {  	v6 =	vmul.f32 v6, v5;
	v3 =	vmul.f32 v5, v7  }
0x9b: {  	v8 =	vtrunc.f32 v9;
	v4 =	vtrunc.f32 v2  }
0x9c: {  	v11 =	vtrunc.f32 v12;
	v13 =	vtrunc.f32 v6  }
0x9d: {  	v14 =	vtrunc.f32 v3;
	v17 =	vcvt.f32.s32 v8  }
0x9e: {  	v7 =	vcvt.f32.s32 v4;
	v16 =	vcvt.f32.s32 v14  }
0x9f: {  	v15 =	vcvt.f32.s32 v11;
	v11 =	vcvt.f32.s32 v13  }
0xa0: {  	v20 =	vcvt.s32.f32 v17;
	v4 =	vcvt.s32.f32 v7  }
0xa1: {  	v5 =	vcvt.s32.f32 v16;
	v13 =	vcvt.s32.f32 v15  }
0xa2: {  	v8 =	vcvt.s32.f32 v11;
	v26 =	vmul.u32 $0x9E3779B1, v7;
	v25 =	vmul.u32 $0x9E3779B1, v15  }
0xa3: {  	v23 =	vmul.u32 $0x30025795, v16;
	vm14 =	vgt.f32 v9, v20;
	vm0 =	vgt.f32 v2, v4  }
0xa4: {  	vm11 =	vgt.f32 v3, v5;
	vm12 =	vgt.f32 v12, v13;
	v10 =	vsel vm0, $0x1, v0  }
0xa5: {  	vm13 =	vgt.f32 v6, v8;
	v10 =	vadd.s32 v7, v10;
	v7 =	vsel vm11, $0x1, v0  }
0xa6: {  	v14 =	vsel vm12, $0x1, v0;
	v22 =	vmul.u32 $0x9E3779B1, v10;
	v7 =	vadd.s32 v16, v7  }
0xa7: {  	v10 =	vsub.f32 v6, v8;
	v8 =	vsel vm13, $0x1, v0;
	v6 =	vmul.u32 $0x30025795, v7  }
0xa8: {  	v7 =	vadd.s32 v15, v14;
	v14 =	vtrunc.f32 v19;
	v18 =	vadd.s32 v11, v8  }
0xa9: {  	v8 =	vmul.u32 $0x30025795, v11;
	v15 =	vsub.f32 v9, v20;
	v27 =	vcvt.f32.s32 v14  }
0xaa: {  	v11 =	vmul.u32 $0x30025795, v18;
	v14 =	vsub.f32 v12, v13;
	v13 =	vxor.u32 v17, v25  }
0xab: {  	v12 =	vmul.u32 $0x9E3779B1, v7;
	v18 =	vsel vm14, $0x1, v0;
	v9 =	vxor.u32 v8, v13  }
0xac: {  	v29 =	vadd.s32 v17, v18;
	v24 =	vcvt.s32.f32 v27;
	v28 =	vxor.u32 v27, v22  }
0xad: {  	v21 =	vxor.u32 v17, v12;
	v9 =	vand.u32 $0x7FFFF, v9;
	v17 =	vxor.u32 v29, v12  }
0xae: {  	v20 =	vxor.u32 v27, v26;
	v7 =	vxor.u32 v6, v28;
	v18 =	vxor.u32 v8, v21  }
0xaf: {  	v12 =	vand.u32 $0x7FFFF, v18;
	v18 =	vor.u32 v1, v9;
	vm15 =	vgt.f32 v19, v24  }
0xb0: {  	v24 =	vsub.f32 v19, v24;
	v19 =	vxor.u32 v23, v28;
	v28 =	vxor.u32 v11, v17  }
0xb1: {  	v16 =	vor.u32 v1, v12;
	v12 =	vxor.u32 v25, v29;
	v9 =	vsel vm15, $0x1, v0  }
0xb2: {  	s18 =	simm.s32 $0x13910;
	v25 =	vxor.u32 v23, v20;
	v27 =	vadd.s32 v27, v9;
	v9 =	vand.u32 $0x7FFFF, v19  }
0xb3: {  	s30 =	simm.s32 $0x20;
	s4 =	sor.u32 $0x200, s5;
	s10 =	simm.s32 $0x13930;
	v22 =	vxor.u32 v27, v22;
	v27 =	vxor.u32 v26, v27;
	v26 =	vxor.u32 v12, v11  }
0xb4: {  	s3 =	simm.s32 $0x14D00;
	s9 =	simm.s32 $0x0;
	s11 =	simm.s32 $0x14D00;
	v12 =	vxor.u32 v8, v12;
	v19 =	vxor.u32 v6, v22;
	v22 =	vxor.u32 v23, v22  }
.LBB2_6:
0xb5: {  	s12 =	sand.u32 $0x180, s30;
	s9 =	sadd.s32 $0x2, s9;
	v29 =	vxor.u32 v6, v27;
	v23 =	vxor.u32 v23, v27;
	v27 =	vand.u32 $0x7FFFF, v28;
	s3 =	sadd.s32 $0x20, s3  }
0xb6: {  	s31 =	sadd.s32 $0x10, s30;
	v25 =	vand.u32 $0x7FFFF, v25;
	s21 =	sadd.s32 s12, s8;
	p2 =	slt.u32 s9, $0x1E;
	v28 =	vand.u32 $0x7FFFF, v29;
	v23 =	vand.u32 $0x7FFFF, v23  }
0xb7: {  	s20 =	sand.u32 $0x60, s30;
	v6 =	vxor.u32 v20, v6;
	s31 =	sand.u32 $0x70, s31;
	s0 =	sadd.s32 $0x2000, s21;
	v20 =	vor.u32 v1, v28;
	[tilespmem:s18+$0x200] =	vst v10;
	v10 =	vxor.u32 v11, v21  }
0xb8: {  	v6 =	vand.u32 $0x7FFFF, v6;
	s22 =	sadd.s32 $0x1000, s21;
	s19 =	sadd.s32 s31, s21;
	v11 =	vxor.u32 v13, v11;
	s23 =	sadd.s32 s20, s0;
	v21 =	vld [tilespmem:s1+$0x13000];
	[tilespmem:s18+$0x0] =	vst v14;
	v10 =	vand.u32 $0x7FFFF, v10  }
0xb9: {  	s21 =	sadd.s32 s20, s21;
	s2 =	sadd.s32 s20, s22;
	s0 =	sadd.s32 s31, s0;
	v14 =	vor.u32 v1, v27;
	v11 =	vand.u32 $0x7FFFF, v11;
	v13 =	vld [tilespmem:s19+$0x0];
	[tilespmem:s18+$0xFFFFFDF0] =	vst v24;
	v10 =	vor.u32 v1, v10  }
0xba: {  	v8 =	vxor.u32 v8, v17;
	v11 =	vor.u32 v1, v11;
	v24 =	vld [tilespmem:s2+$0x0];
	s2 =	sadd.s32 s31, s22;
	[tilespmem:s18+$0xFFFFFE00] =	vst v15;
	v15 =	vand.u32 $0x7FFFF, v26  }
0xbb: {  	v7 =	vand.u32 $0x7FFFF, v7;
	v8 =	vand.u32 $0x7FFFF, v8;
	v17 =	vld [tilespmem:s2+$0x0];
	v15 =	vor.u32 v1, v15;
	[tilespmem:s11+$0xE10] =	vst v18  }
0xbc: {  	v2 =	vsub.f32 v2, v4;
	v3 =	vsub.f32 v3, v5;
	v4 =	vor.u32 v1, v8;
	v18 =	vld [tilespmem:s0+$0x0];
	[tilespmem:s11+$0xA10] =	vst v16  }
0xbd: {  	v8 =	vand.u32 $0x7FFFF, v19;
	v16 =	vand.u32 $0x7FFFF, v22;
	v5 =	vld [tilespmem:s23+$0x0];
	[tilespmem:s11+$0x610] =	vst v10  }
0xbe: {  	v8 =	vor.u32 v1, v8;
	v10 =	vld [tilespmem:s21+$0x0];
	v19 =	vmul.f32 v13, v21;
	[tilespmem:s18+$0xFFFFFFF0] =	vst v2  }
0xbf: {  	v12 =	vand.u32 $0x7FFFF, v12;
	v13 =	vor.u32 v1, v16;
	v2 =	vmul.f32 v21, v24;
	[tilespmem:s11+$0x410] =	vst v15  }
0xc0: {  	v9 =	vor.u32 v1, v9;
	v15 =	vmul.f32 v17, v21;
	v16 =	vtrunc.f32 v19;
	[tilespmem:s11+$0x210] =	vst v4  }
0xc1: {  	v4 =	vtrunc.f32 v2;
	v17 =	vmul.f32 v18, v21;
	[tilespmem:s18+$0x1F0] =	vst v3;
	v18 =	vor.u32 v1, v25;
	s18 =	smov.u32 s10  }
0xc2: {  	v7 =	vor.u32 v1, v7;
	v3 =	vmul.f32 v21, v5;
	v22 =	vcvt.f32.s32 v4;
	[tilespmem:s11+$0x400] =	vst v20  }
0xc3: {  	v6 =	vor.u32 v1, v6;
	v5 =	vtrunc.f32 v15;
	v20 =	vtrunc.f32 v17;
	[tilespmem:s11+$0xC10] =	vst v11  }
0xc4: {  	v11 =	vtrunc.f32 v3;
	v4 =	vcvt.s32.f32 v22;
	[tilespmem:s11+$0x200] =	vst v13;
	v13 =	vor.u32 v1, v23  }
0xc5: {  	v24 =	vcvt.f32.s32 v5;
	v23 =	vcvt.f32.s32 v11;
	[tilespmem:s11+$0x10] =	vst v14;
	v11 =	vor.u32 v1, v12  }
0xc6: {  	s0 =	sor.u32 s7, s6;
	s6 =	smov.u32 s12;
	s7 =	smov.u32 s20;
	v12 =	vmul.f32 v21, v10;
	v14 =	vcvt.f32.s32 v20;
	vm0 =	vgt.f32 v2, v4;
	[tilespmem:s11+$0x0] =	vst v8  }
0xc7: {  	v20 =	vcvt.s32.f32 v24;
	v5 =	vcvt.s32.f32 v23;
	v8 =	vsel vm0, $0x1, v0;
	[tilespmem:s0+$0x15B00] =	vst v18  }
0xc8: {  	v16 =	vcvt.f32.s32 v16;
	v18 =	vcvt.s32.f32 v14;
	v8 =	vadd.s32 v22, v8;
	[tilespmem:s0+$0x15300] =	vst v7  }
0xc9: {  	v22 =	vmul.u32 $0x9E3779B1, v22;
	vm0 =	vgt.f32 v3, v5;
	v26 =	vmul.u32 $0x9E3779B1, v8;
	[tilespmem:s0+$0x15700] =	vst v9  }
0xca: {  	v10 =	vsub.f32 v17, v18;
	v7 =	vsel vm0, $0x1, v0;
	vm0 =	vgt.f32 v15, v20;
	[tilespmem:s0+$0x15900] =	vst v6  }
0xcb: {  	v6 =	vadd.s32 v23, v7;
	v7 =	vsel vm0, $0x1, v0;
	vm0 =	vgt.f32 v17, v18;
	[tilespmem:s0+$0x15500] =	vst v13  }
0xcc: {  	v6 =	vmul.u32 $0x30025795, v6;
	v7 =	vadd.s32 v24, v7;
	v8 =	vsel vm0, $0x1, v0;
	[tilespmem:s11+$0x810] =	vst v11;
	s11 =	smov.u32 s3  }
0xcd: {  	v9 =	vtrunc.f32 v12;
	v11 =	vadd.s32 v14, v8;
	v8 =	vmul.u32 $0x30025795, v14  }
0xce: {  	v9 =	vcvt.f32.s32 v9;
	v17 =	vcvt.s32.f32 v16;
	v11 =	vmul.u32 $0x30025795, v11  }
0xcf: {  	v25 =	vmul.u32 $0x9E3779B1, v24;
	v14 =	vsub.f32 v15, v20;
	v18 =	vmul.u32 $0x9E3779B1, v7  }
0xd0: {  	v27 =	vxor.u32 v9, v26;
	v20 =	vcvt.s32.f32 v9;
	vm0 =	vgt.f32 v19, v17  }
0xd1: {  	v13 =	vxor.u32 v16, v25;
	v24 =	vsel vm0, $0x1, v0;
	v21 =	vxor.u32 v16, v18  }
0xd2: {  	v15 =	vsub.f32 v19, v17;
	v7 =	vxor.u32 v6, v27;
	v17 =	vxor.u32 v8, v13  }
0xd3: {  	v19 =	vadd.s32 v16, v24;
	v16 =	vxor.u32 v8, v21;
	v24 =	vand.u32 $0x7FFFF, v17  }
0xd4: {  	v17 =	vxor.u32 v19, v18;
	v16 =	vand.u32 $0x7FFFF, v16;
	v18 =	vor.u32 v1, v24  }
0xd5: {  	v23 =	vmul.u32 $0x30025795, v23;
	vm0 =	vgt.f32 v12, v20;
	v16 =	vor.u32 v1, v16  }
.Ltmp1:
0xd6: {  	v24 =	vsub.f32 v12, v20;
	v20 =	vxor.u32 v9, v22;
	v12 =	vxor.u32 v25, v19;
	(pc) =	sbr.rel @p2 .LBB2_6-.Ltmp1, $4  }
0xd7: {  	v27 =	vxor.u32 v23, v27;
	v19 =	vsel vm0, $0x1, v0;
	v25 =	vxor.u32 v23, v20  }
0xd8: {  	v28 =	vxor.u32 v11, v17;
	v19 =	vadd.s32 v9, v19;
	v9 =	vand.u32 $0x7FFFF, v27  }
0xd9: {  	v29 =	vxor.u32 v19, v26;
	v27 =	vxor.u32 v22, v19;
	v26 =	vxor.u32 v12, v11  }
0xda: {  	s30 =	sadd.s32 $0x20, s30;
	s10 =	sadd.s32 $0x20, s10;
	v12 =	vxor.u32 v8, v12;
	v19 =	vxor.u32 v6, v29;
	v22 =	vxor.u32 v23, v29  }
0xdb: {  	[tilespmem:s18+$0x200] =	vst v10  }
0xdc: {  	[tilespmem:s18+$0x0] =	vst v14  }
0xdd: {  	[tilespmem:s18+$0xFFFFFDF0] =	vst v24  }
0xde: {  	[tilespmem:s18+$0xFFFFFE00] =	vst v15  }
0xdf: {  	v2 =	vsub.f32 v2, v4;
	[tilespmem:s11+$0xE10] =	vst v18  }
0xe0: {  	v4 =	vxor.u32 v8, v17;
	v8 =	vand.u32 $0x7FFFF, v26;
	[tilespmem:s11+$0xA10] =	vst v16  }
0xe1: {  	v10 =	vxor.u32 v11, v21;
	v3 =	vsub.f32 v3, v5;
	v8 =	vor.u32 v1, v8;
	[tilespmem:s18+$0xFFFFFFF0] =	vst v2  }
0xe2: {  	v10 =	vand.u32 $0x7FFFF, v10;
	[tilespmem:s11+$0x410] =	vst v8  }
0xe3: {  	v4 =	vand.u32 $0x7FFFF, v4;
	v10 =	vor.u32 v1, v10;
	v2 =	vxor.u32 v6, v27;
	[tilespmem:s18+$0x1F0] =	vst v3  }
0xe4: {  	v5 =	vxor.u32 v13, v11;
	v4 =	vor.u32 v1, v4;
	[tilespmem:s11+$0x610] =	vst v10;
	v2 =	vand.u32 $0x7FFFF, v2  }
0xe5: {  	[tilespmem:s11+$0x210] =	vst v4;
	v4 =	vand.u32 $0x7FFFF, v5;
	v2 =	vor.u32 v1, v2  }
0xe6: {  	v3 =	vor.u32 v1, v4;
	v4 =	vand.u32 $0x7FFFF, v22;
	[tilespmem:s11+$0x400] =	vst v2  }
0xe7: {  	v2 =	vand.u32 $0x7FFFF, v28;
	v4 =	vor.u32 v1, v4;
	[tilespmem:s11+$0xC10] =	vst v3  }
0xe8: {  	v3 =	vand.u32 $0x7FFFF, v19;
	v2 =	vor.u32 v1, v2;
	[tilespmem:s11+$0x200] =	vst v4  }
0xe9: {  	v4 =	vand.u32 $0x7FFFF, v25;
	v3 =	vor.u32 v1, v3;
	[tilespmem:s11+$0x10] =	vst v2  }
0xea: {  	s0 =	sor.u32 s7, s6;
	v4 =	vor.u32 v1, v4;
	[tilespmem:s11+$0x0] =	vst v3  }
0xeb: {  	v5 =	vor.u32 v1, v9;
	v2 =	vand.u32 $0x7FFFF, v7;
	v3 =	vxor.u32 v20, v6;
	[tilespmem:s0+$0x15B00] =	vst v4  }
0xec: {  	v2 =	vor.u32 v1, v2;
	v4 =	vxor.u32 v23, v27;
	v3 =	vand.u32 $0x7FFFF, v3;
	[tilespmem:s0+$0x15700] =	vst v5  }
0xed: {  	[tilespmem:s0+$0x15300] =	vst v2;
	v2 =	vand.u32 $0x7FFFF, v4;
	v3 =	vor.u32 v1, v3  }
0xee: {  	v4 =	vand.u32 $0x7FFFF, v12;
	v2 =	vor.u32 v1, v2;
	[tilespmem:s0+$0x15900] =	vst v3  }
0xef: {  	s12 =	rddreg [dreg:$0x2];
	v3 =	vor.u32 v1, v4;
	[tilespmem:s0+$0x15500] =	vst v2  }
0xf0: {  	s2 =	simm.s32 $0x1000;
	s3 =	simm.s32 $0x14D00;
	s18 =	simm.s32 $0x16D00;
	[tilespmem:s11+$0x810] =	vst v3  }
0xf1: {  	[tilespmem:s18], [sflag:$0x2] =	stream.indirect.gather [spmem:s12], $0x1, s3, s2, $0xb8;
	[tilespmem:$0x18100] =	vst v63  }
0xf2: {  	_ =	swait.ge [sflag:s24], $0x1000  }
0xf3: {  	[sflag:s24] =	ssyncset.done $0x0  }
0xf4: {  	s19 =	simm.s32 $0x15D00;
	[sflag:s24] =	ssyncadd.s32 $0xFFFFF000  }
0xf5: {  	v2 =	vld [tilespmem:s19+$0x0]  }
0xf6: {  	v4 =	vld [tilespmem:s19+$0x10]  }
0xf7: {  	v5 =	vld [tilespmem:s19+$0x200]  }
0xf8: {  	s6 =	simm.s32 $0x0;
	v6 =	vld [tilespmem:s19+$0x400]  }
0xf9: {  	s20 =	sand.u32 $0x1E0, s6;
	v7 =	vld [tilespmem:s19+$0xE10]  }
0xfa: {  	v8 =	vld [tilespmem:s20+$0x16B00]  }
0xfb: {  	v9 =	vld [tilespmem:s19+$0x410]  }
0xfc: {  	v10 =	vld [tilespmem:s20+$0x16500]  }
0xfd: {  	v11 =	vld [tilespmem:s19+$0x210]  }
0xfe: {  	v13 =	vld [tilespmem:s19+$0xA10]  }
0xff: {  	v16 =	vld [tilespmem:s19+$0x810]  }
0x100: {  	v18 =	vld [tilespmem:s20+$0x16700];
	v12 =	vshll.u32 v2, $0x10;
	v2 =	vand.u32 $0xFFFF0000, v2;
	v14 =	vshll.u32 v5, $0x10  }
0x101: {  	v20 =	vld [tilespmem:s19+$0x610];
	v5 =	vand.u32 $0xFFFF0000, v5;
	v15 =	vand.u32 $0xFFFF0000, v6;
	v17 =	vshll.u32 v4, $0x10  }
0x102: {  	v21 =	vld [tilespmem:s19+$0xC10];
	v6 =	vshll.u32 v6, $0x10;
	v19 =	vand.u32 $0xFFFF0000, v7;
	v7 =	vshll.u32 v7, $0x10  }
0x103: {  	v22 =	vshll.u32 v9, $0x10;
	v4 =	vand.u32 $0xFFFF0000, v4;
	v23 =	vshll.u32 v8, $0x10  }
0x104: {  	v24 =	vshll.u32 v11, $0x10;
	v8 =	vand.u32 $0xFFFF0000, v8;
	v9 =	vand.u32 $0xFFFF0000, v9  }
0x105: {  	s30 =	simm.s32 $0x13310;
	v26 =	vshll.u32 v16, $0x10;
	v27 =	vshll.u32 v13, $0x10;
	v28 =	vshll.u32 v10, $0x10  }
0x106: {  	v3 =	vld [tilespmem:s30+$0xFFFFFDF0];
	v29 =	vshll.u32 v18, $0x10;
	v11 =	vand.u32 $0xFFFF0000, v11;
	v30 =	vshll.u32 v20, $0x10  }
0x107: {  	v25 =	vld [tilespmem:s30+$0xFFFFFE00];
	v16 =	vand.u32 $0xFFFF0000, v16;
	v32 =	vshll.u32 v21, $0x10;
	v10 =	vand.u32 $0xFFFF0000, v10  }
0x108: {  	v21 =	vand.u32 $0xFFFF0000, v21;
	v5 =	vsub.f32 v5, v15;
	v14 =	vsub.f32 v14, v6  }
0x109: {  	v13 =	vand.u32 $0xFFFF0000, v13;
	v11 =	vsub.f32 v11, v9;
	v24 =	vsub.f32 v24, v22  }
0x10a: {  	v20 =	vand.u32 $0xFFFF0000, v20;
	v17 =	vsub.f32 v17, v30;
	v27 =	vsub.f32 v27, v32  }
0x10b: {  	v18 =	vand.u32 $0xFFFF0000, v18;
	v10 =	vsub.f32 v10, v8;
	v13 =	vsub.f32 v13, v21  }
0x10c: {  	v31 =	vld [tilespmem:s20+$0x16900];
	v16 =	vsub.f32 v16, v19;
	v14 =	vmul.f32 v14, v3;
	v11 =	vmul.f32 v11, v25  }
0x10d: {  	v4 =	vsub.f32 v4, v20;
	v17 =	vmul.f32 v17, v25;
	v13 =	vmul.f32 v13, v25  }
0x10e: {  	v26 =	vsub.f32 v26, v7;
	v10 =	vmul.f32 v10, v3;
	v16 =	vmul.f32 v16, v25  }
0x10f: {  	v4 =	vmul.f32 v4, v25;
	v14 =	vadd.f32 v6, v14;
	v33 =	vadd.f32 v9, v11  }
0x110: {  	v6 =	vmul.f32 v24, v25;
	v9 =	vsub.f32 v28, v23;
	v17 =	vadd.f32 v30, v17  }
0x111: {  	v24 =	vld [tilespmem:s20+$0x16300];
	v11 =	vshll.u32 v31, $0x10;
	v13 =	vadd.f32 v21, v13;
	v16 =	vadd.f32 v19, v16  }
0x112: {  	v28 =	vand.u32 $0xFFFF0000, v31;
	v8 =	vadd.f32 v8, v10;
	v6 =	vadd.f32 v22, v6;
	v22 =	vld [tilespmem:s30+$0x0]  }
0x113: {  	v19 =	vmul.f32 v26, v25;
	v4 =	vadd.f32 v20, v4;
	v18 =	vsub.f32 v18, v28  }
0x114: {  	s7 =	simm.s32 $0x20;
	v5 =	vmul.f32 v5, v3;
	v29 =	vsub.f32 v29, v11;
	v16 =	vsub.f32 v16, v13  }
0x115: {  	s22 =	sand.u32 $0x1E0, s7;
	v34 =	vld [tilespmem:s30+$0xFFFFFFF0];
	v9 =	vmul.f32 v9, v3;
	v7 =	vadd.f32 v7, v19;
	v17 =	vsub.f32 v17, v6  }
0x116: {  	s21 =	simm.s32 $0x15D20;
	v36 =	vld [tilespmem:s22+$0x16700];
	v30 =	vshll.u32 v24, $0x10;
	v31 =	vand.u32 $0xFFFF0000, v24;
	v24 =	vmul.f32 v29, v3  }
0x117: {  	v41 =	vld [tilespmem:s21+$0x610];
	v18 =	vmul.f32 v18, v3;
	v2 =	vsub.f32 v2, v31;
	v17 =	vmul.f32 v17, v22  }
0x118: {  	v48 =	vld [tilespmem:s22+$0x16900];
	v12 =	vsub.f32 v12, v30;
	v10 =	vmul.f32 v16, v22;
	v29 =	vadd.f32 v11, v24  }
0x119: {  	v16 =	vld [tilespmem:s22+$0x16B00];
	v21 =	vadd.f32 v17, v6;
	v6 =	vadd.f32 v23, v9;
	v9 =	vmul.f32 v27, v25  }
0x11a: {  	v24 =	vld [tilespmem:s21+$0x210];
	v27 =	vadd.f32 v15, v5;
	v15 =	vmul.f32 v2, v3;
	v2 =	vmul.f32 v12, v3  }
0x11b: {  	v17 =	vadd.f32 v28, v18;
	v18 =	vld [tilespmem:s21+$0x0];
	v26 =	vadd.f32 v32, v9  }
0x11c: {  	v46 =	vshll.u32 v36, $0x10;
	v25 =	vld [tilespmem:s21+$0x200];
	v12 =	vadd.f32 v30, v2;
	v2 =	vadd.f32 v10, v13  }
0x11d: {  	v47 =	vshll.u32 v41, $0x10;
	v5 =	vld [tilespmem:s21+$0x400];
	v54 =	vsub.f32 v6, v29;
	v6 =	vsub.f32 v4, v33  }
0x11e: {  	v23 =	vld [tilespmem:s21+$0x10];
	v8 =	vsub.f32 v8, v17;
	v15 =	vadd.f32 v31, v15;
	v31 =	vand.u32 $0xFFFF0000, v48  }
0x11f: {  	v40 =	vshll.u32 v16, $0x10;
	v42 =	vshll.u32 v24, $0x10;
	v39 =	vmul.f32 v6, v22  }
0x120: {  	v35 =	vld [tilespmem:s21+$0x810];
	v28 =	vsub.f32 v7, v26;
	v6 =	vmul.f32 v8, v34;
	v55 =	vmul.f32 v54, v34  }
0x121: {  	v9 =	vld [tilespmem:s21+$0xE10];
	v15 =	vsub.f32 v15, v27;
	v3 =	vshll.u32 v18, $0x10;
	v19 =	vand.u32 $0xFFFF0000, v18  }
0x122: {  	s8 =	simm.s32 $0x13330;
	v10 =	vld [tilespmem:s22+$0x16500];
	v13 =	vshll.u32 v25, $0x10;
	v20 =	vand.u32 $0xFFFF0000, v25;
	v11 =	vand.u32 $0xFFFF0000, v5  }
0x123: {  	v43 =	vld [tilespmem:s8+$0xFFFFFE00];
	v25 =	vsub.f32 v12, v14;
	v30 =	vshll.u32 v23, $0x10;
	v5 =	vshll.u32 v5, $0x10  }
0x124: {  	v18 =	vld [tilespmem:s21+$0x410];
	v23 =	vand.u32 $0xFFFF0000, v23;
	v7 =	vsub.f32 v20, v11;
	v37 =	vsub.f32 v13, v5  }
0x125: {  	v8 =	vld [tilespmem:s21+$0xC10];
	v13 =	vand.u32 $0xFFFF0000, v16;
	v6 =	vadd.f32 v6, v17;
	v30 =	vsub.f32 v30, v47  }
0x126: {  	v4 =	vld [tilespmem:s8+$0xFFFFFDF0];
	v33 =	vadd.f32 v39, v33;
	v22 =	vmul.f32 v28, v22;
	v12 =	vand.u32 $0xFFFF0000, v9  }
0x127: {  	v9 =	vshll.u32 v9, $0x10;
	v45 =	vshll.u32 v10, $0x10;
	v10 =	vand.u32 $0xFFFF0000, v10  }
0x128: {  	v20 =	vld [tilespmem:s21+$0xA10];
	v57 =	vsub.f32 v45, v40;
	v30 =	vmul.f32 v30, v43;
	v10 =	vsub.f32 v10, v13  }
0x129: {  	v38 =	vshll.u32 v18, $0x10;
	v16 =	vand.u32 $0xFFFF0000, v18;
	v18 =	vmul.f32 v25, v34  }
0x12a: {  	v17 =	vshll.u32 v8, $0x10;
	v25 =	vshll.u32 v35, $0x10;
	v35 =	vand.u32 $0xFFFF0000, v35  }
0x12b: {  	v14 =	vadd.f32 v18, v14;
	v18 =	vmul.f32 v7, v4;
	v7 =	vand.u32 $0xFFFF0000, v24  }
0x12c: {  	v42 =	vsub.f32 v42, v38;
	v24 =	vmul.f32 v37, v4;
	v7 =	vsub.f32 v7, v16  }
0x12d: {  	v44 =	vshll.u32 v20, $0x10;
	v63 =	vsub.f32 v35, v12;
	v35 =	vadd.f32 v55, v29  }
0x12e: {  	v56 =	vmul.f32 v7, v43;
	v7 =	vadd.f32 v5, v24;
	v24 =	vmul.f32 v42, v43  }
0x12f: {  	v58 =	vld [tilespmem:s22+$0x16300];
	v28 =	vand.u32 $0xFFFF0000, v8;
	v59 =	vsub.f32 v25, v9;
	v44 =	vsub.f32 v44, v17  }
0x130: {  	v8 =	vld [tilespmem:s8+$0x0];
	v62 =	vmul.f32 v57, v4;
	v37 =	vsub.f32 v14, v35;
	v38 =	vadd.f32 v38, v24  }
0x131: {  	v20 =	vand.u32 $0xFFFF0000, v20;
	v24 =	vadd.f32 v22, v26;
	v22 =	vadd.f32 v47, v30  }
0x132: {  	v5 =	vadd.f32 v16, v56;
	v16 =	vshll.u32 v48, $0x10;
	v26 =	vsub.f32 v20, v28  }
0x133: {  	v20 =	vand.u32 $0xFFFF0000, v41;
	v30 =	vand.u32 $0xFFFF0000, v36;
	v22 =	vsub.f32 v22, v38  }
0x134: {  	v36 =	vmul.f32 v44, v43;
	v25 =	vsub.f32 v30, v31;
	v30 =	vmul.f32 v26, v43  }
0x135: {  	v60 =	vsub.f32 v23, v20;
	v23 =	vshll.u32 v58, $0x10;
	v22 =	vmul.f32 v22, v8  }
0x136: {  	v61 =	vsub.f32 v21, v24;
	v21 =	vmul.f32 v25, v4;
	v25 =	vadd.f32 v28, v30;
	v28 =	vld [tilespmem:s30+$0x200]  }
0x137: {  	v29 =	vld [tilespmem:s30+$0x1F0];
	v30 =	vmul.f32 v10, v4;
	v10 =	vadd.f32 v22, v38;
	v22 =	vmul.f32 v15, v34  }
0x138: {  	s9 =	simm.s32 $0x2;
	v32 =	vsub.f32 v46, v16;
	v26 =	vsub.f32 v33, v2;
	v33 =	vmul.f32 v59, v43  }
0x139: {  	s10 =	simm.s32 $0x40;
	s23 =	sand.u32 $0x300, s6;
	s3 =	simm.s32 $0x40;
	v21 =	vadd.f32 v31, v21;
	v15 =	vand.u32 $0xFFFF0000, v58;
	v22 =	vadd.f32 v22, v27  }
0x13a: {  	s18 =	sadd.s32 $0x17D00, s23;
	s12 =	simm.s32 $0x13350;
	s31 =	sand.u32 $0x300, s3;
	v38 =	vmul.f32 v63, v43;
	v34 =	vmul.f32 v60, v43;
	v27 =	vadd.f32 v40, v62  }
0x13b: {  	s11 =	sadd.s32 $0x17D00, s31;
	s21 =	simm.s32 $0x10;
	v14 =	vld [tilespmem:s8+$0xFFFFFFF0];
	s30 =	simm.s32 $0x15D40;
	v39 =	vmul.f32 v61, v28;
	v31 =	vsub.f32 v22, v6;
	v22 =	vsub.f32 v19, v15  }
.LBB2_8:
0x13c: {  	v40 =	vld [tilespmem:s30+$0x0];
	s20 =	sand.u32 $0x1E0, s10;
	s9 =	sadd.s32 $0x2, s9;
	v32 =	vmul.f32 v32, v4;
	v19 =	vadd.f32 v11, v18;
	s3 =	sadd.s32 $0x40, s3;
	v11 =	vmul.f32 v37, v29  }
0x13d: {  	v12 =	vadd.f32 v12, v38;
	s2 =	sand.u32 $0x70, s21;
	v26 =	vmul.f32 v26, v28;
	v18 =	vld [tilespmem:s12+$0xFFFFFDF0];
	s0 =	sand.u32 $0x300, s3;
	p2 =	slt.u32 s9, $0x1E;
	v24 =	vadd.f32 v39, v24  }
0x13e: {  	v3 =	vsub.f32 v3, v23;
	s6 =	sand.u32 $0x60, s6;
	v37 =	vmul.f32 v22, v4;
	s2 =	sor.u32 s2, s18;
	s0 =	sadd.s32 $0x17D00, s0;
	v28 =	vld [tilespmem:s30+$0x10];
	v11 =	vadd.f32 v11, v35  }
0x13f: {  	v36 =	vadd.f32 v17, v36;
	v17 =	vmul.f32 v31, v29;
	s19 =	sor.u32 s6, s18;
	s18 =	smov.u32 s11;
	v12 =	vsub.f32 v12, v25;
	v35 =	vld [tilespmem:s30+$0x200];
	[tilespmem:s2+$0x0] =	vst v24;
	s11 =	smov.u32 s0  }
0x140: {  	v13 =	vadd.f32 v13, v30;
	v9 =	vadd.f32 v9, v33;
	s6 =	smov.u32 s7;
	s7 =	smov.u32 s10;
	v22 =	vmul.f32 v3, v4;
	v24 =	vld [tilespmem:s30+$0x400];
	[tilespmem:s19+$0x0] =	vst v11  }
0x141: {  	v11 =	vmul.f32 v12, v8;
	v12 =	vadd.f32 v26, v2;
	v3 =	vshll.u32 v40, $0x10;
	v29 =	vld [tilespmem:s30+$0xE10]  }
0x142: {  	v6 =	vadd.f32 v17, v6;
	v23 =	vadd.f32 v23, v22;
	v26 =	vld [tilespmem:s20+$0x16B00];
	v4 =	vmov v18  }
0x143: {  	v22 =	vand.u32 $0xFFFF0000, v40;
	v18 =	vadd.f32 v20, v34;
	v2 =	vadd.f32 v11, v25;
	v17 =	vld [tilespmem:s30+$0x410];
	[tilespmem:s2+$0x80] =	vst v12  }
0x144: {  	v31 =	vadd.f32 v16, v32;
	v20 =	vld [tilespmem:s20+$0x16500];
	v25 =	vshll.u32 v35, $0x10;
	v12 =	vand.u32 $0xFFFF0000, v35;
	[tilespmem:s19+$0x80] =	vst v6  }
0x145: {  	v6 =	vsub.f32 v23, v7;
	v23 =	vsub.f32 v9, v36;
	v11 =	vand.u32 $0xFFFF0000, v24;
	v16 =	vld [tilespmem:s30+$0x210]  }
0x146: {  	v27 =	vsub.f32 v27, v31;
	v33 =	vshll.u32 v28, $0x10;
	v30 =	vsub.f32 v12, v11;
	v32 =	vld [tilespmem:s30+$0xA10]  }
0x147: {  	v18 =	vsub.f32 v18, v5;
	v24 =	vshll.u32 v24, $0x10;
	v12 =	vand.u32 $0xFFFF0000, v29;
	v34 =	vld [tilespmem:s30+$0x810]  }
0x148: {  	v13 =	vsub.f32 v13, v21;
	v25 =	vsub.f32 v25, v24;
	v9 =	vshll.u32 v29, $0x10;
	v35 =	vld [tilespmem:s20+$0x16700]  }
0x149: {  	v28 =	vand.u32 $0xFFFF0000, v28;
	v39 =	vmul.f32 v18, v8;
	v38 =	vshll.u32 v17, $0x10;
	v29 =	vld [tilespmem:s30+$0xC10]  }
0x14a: {  	v18 =	vmul.f32 v13, v14;
	v40 =	vshll.u32 v26, $0x10;
	v41 =	vld [tilespmem:s30+$0x610];
	v42 =	vshll.u32 v16, $0x10  }
0x14b: {  	v13 =	vand.u32 $0xFFFF0000, v26;
	v26 =	vand.u32 $0xFFFF0000, v17;
	v17 =	vmul.f32 v6, v14;
	v43 =	vld [tilespmem:s20+$0x16300]  }
0x14c: {  	v6 =	vadd.f32 v18, v21;
	v46 =	vshll.u32 v32, $0x10;
	v44 =	vld [tilespmem:s12+$0xFFFFFE00];
	v45 =	vshll.u32 v34, $0x10  }
0x14d: {  	v21 =	vshll.u32 v20, $0x10;
	v48 =	vadd.f32 v17, v7;
	v47 =	vshll.u32 v35, $0x10  }
0x14e: {  	v18 =	vmul.f32 v30, v4;
	v7 =	vand.u32 $0xFFFF0000, v16;
	v30 =	vsub.f32 v42, v38  }
0x14f: {  	v7 =	vsub.f32 v7, v26;
	v34 =	vand.u32 $0xFFFF0000, v34;
	v42 =	vshll.u32 v41, $0x10  }
0x150: {  	v27 =	vmul.f32 v27, v14;
	v16 =	vmul.f32 v25, v4;
	v49 =	vld [tilespmem:s20+$0x16900];
	v25 =	vsub.f32 v33, v42  }
0x151: {  	v39 =	vadd.f32 v39, v5;
	v17 =	vshll.u32 v29, $0x10;
	v33 =	vmul.f32 v7, v44  }
0x152: {  	v8 =	vmul.f32 v23, v8;
	v7 =	vadd.f32 v24, v16;
	v16 =	vmul.f32 v30, v44  }
0x153: {  	v20 =	vand.u32 $0xFFFF0000, v20;
	v29 =	vand.u32 $0xFFFF0000, v29;
	v5 =	vadd.f32 v26, v33  }
0x154: {  	v21 =	vsub.f32 v21, v40;
	v23 =	vmul.f32 v25, v44;
	v33 =	vadd.f32 v38, v16  }
0x155: {  	v24 =	vadd.f32 v8, v36;
	v38 =	vsub.f32 v46, v17;
	v16 =	vshll.u32 v49, $0x10  }
0x156: {  	v15 =	vadd.f32 v15, v37;
	v25 =	vand.u32 $0xFFFF0000, v32;
	v23 =	vadd.f32 v42, v23;
	v8 =	vld [tilespmem:s12+$0x0]  }
0x157: {  	v30 =	vsub.f32 v20, v13;
	v25 =	vsub.f32 v25, v29;
	v42 =	vand.u32 $0xFFFF0000, v49  }
0x158: {  	v15 =	vsub.f32 v15, v19;
	v20 =	vand.u32 $0xFFFF0000, v41;
	v32 =	vsub.f32 v23, v33  }
0x159: {  	v37 =	vsub.f32 v45, v9;
	v41 =	vsub.f32 v28, v20;
	v23 =	vand.u32 $0xFFFF0000, v35  }
0x15a: {  	v26 =	vsub.f32 v39, v2;
	v25 =	vmul.f32 v25, v44;
	v28 =	vsub.f32 v23, v42  }
0x15b: {  	v39 =	vsub.f32 v10, v24;
	v23 =	vshll.u32 v43, $0x10;
	v35 =	vmul.f32 v32, v8  }
0x15c: {  	v25 =	vadd.f32 v29, v25;
	v45 =	vmul.f32 v28, v4;
	v32 =	vsub.f32 v47, v16  }
0x15d: {  	v14 =	vmul.f32 v15, v14;
	v30 =	vmul.f32 v30, v4;
	v10 =	vadd.f32 v35, v33;
	v28 =	vld [tilespmem:s8+$0x200]  }
.Ltmp2:
0x15e: {  	v21 =	vmul.f32 v21, v4;
	v34 =	vsub.f32 v34, v12;
	v35 =	vadd.f32 v27, v31;
	v29 =	vld [tilespmem:s8+$0x1F0];
	s8 =	smov.u32 s12;
	(pc) =	sbr.rel @p2 .LBB2_8-.Ltmp2, $4  }
0x15f: {  	v14 =	vadd.f32 v14, v19;
	v15 =	vand.u32 $0xFFFF0000, v43;
	v36 =	vmul.f32 v38, v44  }
0x160: {  	v27 =	vadd.f32 v40, v21;
	v33 =	vmul.f32 v37, v44;
	v37 =	vsub.f32 v48, v35  }
0x161: {  	s21 =	sadd.s32 $0x10, s6;
	v38 =	vmul.f32 v34, v44;
	v21 =	vadd.f32 v42, v45;
	v31 =	vsub.f32 v14, v6  }
0x162: {  	s10 =	sadd.s32 $0x20, s10;
	s30 =	sadd.s32 $0x20, s30;
	v22 =	vsub.f32 v22, v15;
	v34 =	vmul.f32 v41, v44;
	s12 =	sadd.s32 $0x20, s12;
	v14 =	vld [tilespmem:s8+$0xFFFFFFF0];
	v39 =	vmul.f32 v39, v28  }
0x163: {  	v12 =	vadd.f32 v12, v38;
	v3 =	vsub.f32 v3, v23  }
0x164: {  	v11 =	vadd.f32 v11, v18;
	v17 =	vadd.f32 v17, v36  }
0x165: {  	v19 =	vmul.f32 v37, v29;
	v13 =	vadd.f32 v13, v30;
	v9 =	vadd.f32 v9, v33  }
0x166: {  	v51 =	vmul.f32 v32, v4;
	v50 =	vadd.f32 v39, v24;
	v20 =	vadd.f32 v20, v34  }
0x167: {  	v12 =	vsub.f32 v12, v25;
	v19 =	vadd.f32 v19, v35;
	v3 =	vmul.f32 v3, v4  }
0x168: {  	v52 =	vmul.f32 v22, v4;
	v16 =	vadd.f32 v16, v51;
	v9 =	vsub.f32 v9, v17  }
0x169: {  	v13 =	vsub.f32 v13, v21;
	v3 =	vadd.f32 v23, v3  }
0x16a: {  	v4 =	vadd.f32 v15, v52;
	v54 =	vsub.f32 v20, v5  }
0x16b: {  	v12 =	vmul.f32 v12, v8;
	v53 =	vsub.f32 v27, v16;
	v3 =	vsub.f32 v3, v7  }
0x16c: {  	v13 =	vmul.f32 v13, v14;
	v9 =	vmul.f32 v9, v8;
	v4 =	vsub.f32 v4, v11  }
0x16d: {  	v56 =	vld [tilespmem:s8+$0x200];
	v12 =	vadd.f32 v12, v25;
	v55 =	vmul.f32 v53, v14;
	v3 =	vmul.f32 v3, v14  }
0x16e: {  	v58 =	vld [tilespmem:s8+$0x1F0];
	v57 =	vmul.f32 v54, v8;
	v13 =	vadd.f32 v13, v21;
	v9 =	vadd.f32 v9, v17  }
0x16f: {  	v4 =	vmul.f32 v4, v14;
	v59 =	vadd.f32 v55, v16;
	v3 =	vadd.f32 v3, v7  }
0x170: {  	s0 =	sand.u32 $0x70, s21;
	v60 =	vmul.f32 v26, v28;
	v61 =	vadd.f32 v57, v5;
	v62 =	vsub.f32 v10, v9  }
0x171: {  	s2 =	sand.u32 $0x60, s6;
	v63 =	vmul.f32 v31, v29;
	s0 =	sor.u32 s0, s18;
	v4 =	vadd.f32 v4, v11;
	v3 =	vsub.f32 v3, v59  }
0x172: {  	s2 =	sor.u32 s2, s18;
	v2 =	vadd.f32 v60, v2;
	[tilespmem:s0+$0x0] =	vst v50;
	v5 =	vsub.f32 v61, v12;
	v8 =	vmul.f32 v62, v56  }
0x173: {  	s3 =	sadd.s32 $0x10, s7;
	v6 =	vadd.f32 v63, v6;
	[tilespmem:s2+$0x0] =	vst v19;
	v4 =	vsub.f32 v4, v13;
	v3 =	vmul.f32 v3, v58  }
0x174: {  	s21 =	sand.u32 $0x70, s3;
	[tilespmem:s0+$0x80] =	vst v2;
	v5 =	vmul.f32 v5, v56;
	v2 =	vadd.f32 v8, v9  }
0x175: {  	s22 =	sand.u32 $0x60, s7;
	[tilespmem:s2+$0x80] =	vst v6;
	s0 =	sor.u32 s21, s11;
	v4 =	vmul.f32 v4, v58;
	v3 =	vadd.f32 v3, v59  }
0x176: {  	s23 =	sshll.u32 s17, $0xD;
	s2 =	sor.u32 s22, s11;
	[tilespmem:s0+$0x0] =	vst v2;
	v2 =	vadd.f32 v5, v12  }
0x177: {  	s3 =	sadd.s32 s13, s23;
	[tilespmem:s2+$0x0] =	vst v3;
	v3 =	vadd.f32 v4, v13  }
0x178: {  	s31 =	rddreg [dreg:$0x1];
	p2 =	seq.s32 s17, $0x3;
	s30 =	sshrl.u32 s3, $0x3;
	[tilespmem:s0+$0x80] =	vst v2  }
.Ltmp3:
0x179: {  	s0 =	sadd.s32 s31, s30;
	[tilespmem:s2+$0x80] =	vst v3;
	(pc) =	sbr.rel @p2 .LBB2_13-.Ltmp3, $4  }
0x17a: {  	[hbm4b:s0+s25] =	stream.strided.scatter [tilespmem:s28], [sflag:$0x4], $0x400, s26, s25, $0x38;
	[tilespmem:$0x18100] =	vst v63  }
0x17b: {  	_ =	swait.ge [sflag:s14], $0x400  }
0x17c: {  	[sflag:s14] =	ssyncset.done $0x0  }
0x17d: {  	[sflag:s14] =	ssyncadd.s32 $0xFFFFFC00  }
0x17e: {  	s0 =	simm.s32 $0x0  }
0x17f: {  	s7 =	sadd.s32 $0x10400, s5;
	s2 =	simm.s32 $0x10;
	s5 =	sand.u32 $0x180, s0  }
0x180: {  	s2 =	sand.u32 $0x70, s2;
	s3 =	sadd.s32 s5, s7  }
0x181: {  	v5 =	vld [tilespmem:s1+$0x13000];
	s6 =	sand.u32 $0x60, s0;
	s8 =	sadd.s32 s2, s3  }
0x182: {  	s22 =	sadd.s32 $0x1000, s3;
	s31 =	sadd.s32 s6, s3;
	v2 =	vld [tilespmem:s8+$0x0]  }
0x183: {  	s9 =	sadd.s32 s6, s22;
	v10 =	vld [tilespmem:s31+$0x0]  }
0x184: {  	s23 =	sadd.s32 $0x2000, s3;
	s0 =	sadd.s32 s2, s22;
	v3 =	vld [tilespmem:s9+$0x0]  }
0x185: {  	s2 =	sadd.s32 s2, s23;
	v4 =	vld [tilespmem:s0+$0x0]  }
0x186: {  	s30 =	sadd.s32 s6, s23;
	v6 =	vld [tilespmem:s2+$0x0]  }
0x187: {  	v7 =	vld [tilespmem:s30+$0x0];
	_ =	sdelay $0x2  }
0x188: {  	v9 =	vmul.f32 v2, v5;
	v19 =	vmul.f32 v5, v10  }
0x189: {  	v2 =	vmul.f32 v5, v3;
	v12 =	vmul.f32 v4, v5  }
0x18a: {  	v6 =	vmul.f32 v6, v5;
	v3 =	vmul.f32 v5, v7  }
0x18b: {  	v8 =	vtrunc.f32 v9;
	v4 =	vtrunc.f32 v2  }
0x18c: {  	v11 =	vtrunc.f32 v12;
	v13 =	vtrunc.f32 v6  }
0x18d: {  	v14 =	vtrunc.f32 v3;
	v17 =	vcvt.f32.s32 v8  }
0x18e: {  	v7 =	vcvt.f32.s32 v4;
	v16 =	vcvt.f32.s32 v14  }
0x18f: {  	v15 =	vcvt.f32.s32 v11;
	v11 =	vcvt.f32.s32 v13  }
0x190: {  	v20 =	vcvt.s32.f32 v17;
	v4 =	vcvt.s32.f32 v7  }
0x191: {  	v5 =	vcvt.s32.f32 v16;
	v13 =	vcvt.s32.f32 v15  }
0x192: {  	v8 =	vcvt.s32.f32 v11;
	v26 =	vmul.u32 $0x9E3779B1, v7;
	v25 =	vmul.u32 $0x9E3779B1, v15  }
0x193: {  	v23 =	vmul.u32 $0x30025795, v16;
	vm14 =	vgt.f32 v9, v20;
	vm0 =	vgt.f32 v2, v4  }
0x194: {  	vm11 =	vgt.f32 v3, v5;
	vm12 =	vgt.f32 v12, v13;
	v10 =	vsel vm0, $0x1, v0  }
0x195: {  	vm13 =	vgt.f32 v6, v8;
	v10 =	vadd.s32 v7, v10;
	v7 =	vsel vm11, $0x1, v0  }
0x196: {  	v14 =	vsel vm12, $0x1, v0;
	v22 =	vmul.u32 $0x9E3779B1, v10;
	v7 =	vadd.s32 v16, v7  }
0x197: {  	v10 =	vsub.f32 v6, v8;
	v8 =	vsel vm13, $0x1, v0;
	v6 =	vmul.u32 $0x30025795, v7  }
0x198: {  	v7 =	vadd.s32 v15, v14;
	v14 =	vtrunc.f32 v19;
	v18 =	vadd.s32 v11, v8  }
0x199: {  	v8 =	vmul.u32 $0x30025795, v11;
	v15 =	vsub.f32 v9, v20;
	v27 =	vcvt.f32.s32 v14  }
0x19a: {  	v11 =	vmul.u32 $0x30025795, v18;
	v14 =	vsub.f32 v12, v13;
	v13 =	vxor.u32 v17, v25  }
0x19b: {  	v12 =	vmul.u32 $0x9E3779B1, v7;
	v18 =	vsel vm14, $0x1, v0;
	v9 =	vxor.u32 v8, v13  }
0x19c: {  	v29 =	vadd.s32 v17, v18;
	v24 =	vcvt.s32.f32 v27;
	v28 =	vxor.u32 v27, v22  }
0x19d: {  	v21 =	vxor.u32 v17, v12;
	v9 =	vand.u32 $0x7FFFF, v9;
	v17 =	vxor.u32 v29, v12  }
0x19e: {  	v20 =	vxor.u32 v27, v26;
	v7 =	vxor.u32 v6, v28;
	v18 =	vxor.u32 v8, v21  }
0x19f: {  	v12 =	vand.u32 $0x7FFFF, v18;
	v18 =	vor.u32 v1, v9;
	vm15 =	vgt.f32 v19, v24  }
0x1a0: {  	v24 =	vsub.f32 v19, v24;
	v19 =	vxor.u32 v23, v28;
	v28 =	vxor.u32 v11, v17  }
0x1a1: {  	v16 =	vor.u32 v1, v12;
	v12 =	vxor.u32 v25, v29;
	v9 =	vsel vm15, $0x1, v0  }
0x1a2: {  	v25 =	vxor.u32 v23, v20;
	v27 =	vadd.s32 v27, v9;
	v9 =	vand.u32 $0x7FFFF, v19  }
0x1a3: {  	s11 =	simm.s32 $0x13310;
	s18 =	simm.s32 $0x20;
	s10 =	simm.s32 $0x13330;
	v22 =	vxor.u32 v27, v22;
	v27 =	vxor.u32 v26, v27;
	v26 =	vxor.u32 v12, v11  }
0x1a4: {  	s3 =	simm.s32 $0x13D00;
	s8 =	simm.s32 $0x13D00;
	s9 =	simm.s32 $0x0;
	v12 =	vxor.u32 v8, v12;
	v19 =	vxor.u32 v6, v22;
	v22 =	vxor.u32 v23, v22  }
.LBB2_11:
0x1a5: {  	s12 =	sand.u32 $0x180, s18;
	s9 =	sadd.s32 $0x2, s9;
	v29 =	vxor.u32 v6, v27;
	v23 =	vxor.u32 v23, v27;
	v27 =	vand.u32 $0x7FFFF, v28;
	s3 =	sadd.s32 $0x20, s3  }
0x1a6: {  	s2 =	sadd.s32 $0x10, s18;
	v25 =	vand.u32 $0x7FFFF, v25;
	s0 =	sadd.s32 s12, s7;
	p2 =	slt.u32 s9, $0x1E;
	v28 =	vand.u32 $0x7FFFF, v29;
	v23 =	vand.u32 $0x7FFFF, v23  }
0x1a7: {  	s20 =	sand.u32 $0x60, s18;
	v6 =	vxor.u32 v20, v6;
	s2 =	sand.u32 $0x70, s2;
	s19 =	sadd.s32 $0x2000, s0;
	v20 =	vor.u32 v1, v28;
	[tilespmem:s11+$0x200] =	vst v10;
	v10 =	vxor.u32 v11, v21  }
0x1a8: {  	v6 =	vand.u32 $0x7FFFF, v6;
	s21 =	sadd.s32 $0x1000, s0;
	s23 =	sadd.s32 s2, s0;
	v11 =	vxor.u32 v13, v11;
	s22 =	sadd.s32 s20, s19;
	v21 =	vld [tilespmem:s1+$0x13000];
	[tilespmem:s11+$0x0] =	vst v14;
	v10 =	vand.u32 $0x7FFFF, v10  }
0x1a9: {  	s0 =	sadd.s32 s20, s0;
	s30 =	sadd.s32 s20, s21;
	s19 =	sadd.s32 s2, s19;
	v14 =	vor.u32 v1, v27;
	v11 =	vand.u32 $0x7FFFF, v11;
	v13 =	vld [tilespmem:s23+$0x0];
	[tilespmem:s11+$0xFFFFFDF0] =	vst v24;
	v10 =	vor.u32 v1, v10  }
0x1aa: {  	v8 =	vxor.u32 v8, v17;
	s2 =	sadd.s32 s2, s21;
	v11 =	vor.u32 v1, v11;
	v24 =	vld [tilespmem:s30+$0x0];
	[tilespmem:s11+$0xFFFFFE00] =	vst v15;
	v15 =	vand.u32 $0x7FFFF, v26  }
0x1ab: {  	v7 =	vand.u32 $0x7FFFF, v7;
	v8 =	vand.u32 $0x7FFFF, v8;
	v17 =	vld [tilespmem:s2+$0x0];
	v15 =	vor.u32 v1, v15;
	[tilespmem:s8+$0xE10] =	vst v18  }
0x1ac: {  	v2 =	vsub.f32 v2, v4;
	v3 =	vsub.f32 v3, v5;
	v4 =	vor.u32 v1, v8;
	v18 =	vld [tilespmem:s19+$0x0];
	[tilespmem:s8+$0xA10] =	vst v16  }
0x1ad: {  	v8 =	vand.u32 $0x7FFFF, v19;
	v16 =	vand.u32 $0x7FFFF, v22;
	v5 =	vld [tilespmem:s22+$0x0];
	[tilespmem:s8+$0x610] =	vst v10  }
0x1ae: {  	v8 =	vor.u32 v1, v8;
	v10 =	vld [tilespmem:s0+$0x0];
	v19 =	vmul.f32 v13, v21;
	[tilespmem:s11+$0xFFFFFFF0] =	vst v2  }
0x1af: {  	v12 =	vand.u32 $0x7FFFF, v12;
	v13 =	vor.u32 v1, v16;
	v2 =	vmul.f32 v21, v24;
	[tilespmem:s8+$0x410] =	vst v15  }
0x1b0: {  	v9 =	vor.u32 v1, v9;
	v15 =	vmul.f32 v17, v21;
	v16 =	vtrunc.f32 v19;
	[tilespmem:s8+$0x210] =	vst v4  }
0x1b1: {  	v4 =	vtrunc.f32 v2;
	v17 =	vmul.f32 v18, v21;
	[tilespmem:s11+$0x1F0] =	vst v3;
	v18 =	vor.u32 v1, v25;
	s11 =	smov.u32 s10  }
0x1b2: {  	v7 =	vor.u32 v1, v7;
	v3 =	vmul.f32 v21, v5;
	v22 =	vcvt.f32.s32 v4;
	[tilespmem:s8+$0x400] =	vst v20  }
0x1b3: {  	v6 =	vor.u32 v1, v6;
	v5 =	vtrunc.f32 v15;
	v20 =	vtrunc.f32 v17;
	[tilespmem:s8+$0xC10] =	vst v11  }
0x1b4: {  	v11 =	vtrunc.f32 v3;
	v4 =	vcvt.s32.f32 v22;
	[tilespmem:s8+$0x200] =	vst v13;
	v13 =	vor.u32 v1, v23  }
0x1b5: {  	v24 =	vcvt.f32.s32 v5;
	v23 =	vcvt.f32.s32 v11;
	[tilespmem:s8+$0x10] =	vst v14;
	v11 =	vor.u32 v1, v12  }
0x1b6: {  	s0 =	sor.u32 s6, s5;
	s5 =	smov.u32 s12;
	s6 =	smov.u32 s20;
	v12 =	vmul.f32 v21, v10;
	v14 =	vcvt.f32.s32 v20;
	vm0 =	vgt.f32 v2, v4;
	[tilespmem:s8+$0x0] =	vst v8  }
0x1b7: {  	v20 =	vcvt.s32.f32 v24;
	v5 =	vcvt.s32.f32 v23;
	v8 =	vsel vm0, $0x1, v0;
	[tilespmem:s0+$0x14B00] =	vst v18  }
0x1b8: {  	v16 =	vcvt.f32.s32 v16;
	v18 =	vcvt.s32.f32 v14;
	v8 =	vadd.s32 v22, v8;
	[tilespmem:s0+$0x14300] =	vst v7  }
0x1b9: {  	v22 =	vmul.u32 $0x9E3779B1, v22;
	vm0 =	vgt.f32 v3, v5;
	v26 =	vmul.u32 $0x9E3779B1, v8;
	[tilespmem:s0+$0x14700] =	vst v9  }
0x1ba: {  	v10 =	vsub.f32 v17, v18;
	v7 =	vsel vm0, $0x1, v0;
	vm0 =	vgt.f32 v15, v20;
	[tilespmem:s0+$0x14900] =	vst v6  }
0x1bb: {  	v6 =	vadd.s32 v23, v7;
	v7 =	vsel vm0, $0x1, v0;
	vm0 =	vgt.f32 v17, v18;
	[tilespmem:s0+$0x14500] =	vst v13  }
0x1bc: {  	v6 =	vmul.u32 $0x30025795, v6;
	v7 =	vadd.s32 v24, v7;
	v8 =	vsel vm0, $0x1, v0;
	[tilespmem:s8+$0x810] =	vst v11;
	s8 =	smov.u32 s3  }
0x1bd: {  	v9 =	vtrunc.f32 v12;
	v11 =	vadd.s32 v14, v8;
	v8 =	vmul.u32 $0x30025795, v14  }
0x1be: {  	v9 =	vcvt.f32.s32 v9;
	v17 =	vcvt.s32.f32 v16;
	v11 =	vmul.u32 $0x30025795, v11  }
0x1bf: {  	v25 =	vmul.u32 $0x9E3779B1, v24;
	v14 =	vsub.f32 v15, v20;
	v18 =	vmul.u32 $0x9E3779B1, v7  }
0x1c0: {  	v27 =	vxor.u32 v9, v26;
	v20 =	vcvt.s32.f32 v9;
	vm0 =	vgt.f32 v19, v17  }
0x1c1: {  	v13 =	vxor.u32 v16, v25;
	v24 =	vsel vm0, $0x1, v0;
	v21 =	vxor.u32 v16, v18  }
0x1c2: {  	v15 =	vsub.f32 v19, v17;
	v7 =	vxor.u32 v6, v27;
	v17 =	vxor.u32 v8, v13  }
0x1c3: {  	v19 =	vadd.s32 v16, v24;
	v16 =	vxor.u32 v8, v21;
	v24 =	vand.u32 $0x7FFFF, v17  }
0x1c4: {  	v17 =	vxor.u32 v19, v18;
	v16 =	vand.u32 $0x7FFFF, v16;
	v18 =	vor.u32 v1, v24  }
0x1c5: {  	v23 =	vmul.u32 $0x30025795, v23;
	vm0 =	vgt.f32 v12, v20;
	v16 =	vor.u32 v1, v16  }
.Ltmp4:
0x1c6: {  	v24 =	vsub.f32 v12, v20;
	v20 =	vxor.u32 v9, v22;
	v12 =	vxor.u32 v25, v19;
	(pc) =	sbr.rel @p2 .LBB2_11-.Ltmp4, $4  }
0x1c7: {  	v27 =	vxor.u32 v23, v27;
	v19 =	vsel vm0, $0x1, v0;
	v25 =	vxor.u32 v23, v20  }
0x1c8: {  	v28 =	vxor.u32 v11, v17;
	v19 =	vadd.s32 v9, v19;
	v9 =	vand.u32 $0x7FFFF, v27  }
0x1c9: {  	v29 =	vxor.u32 v19, v26;
	v27 =	vxor.u32 v22, v19;
	v26 =	vxor.u32 v12, v11  }
0x1ca: {  	s18 =	sadd.s32 $0x20, s18;
	s10 =	sadd.s32 $0x20, s10;
	v12 =	vxor.u32 v8, v12;
	v19 =	vxor.u32 v6, v29;
	v22 =	vxor.u32 v23, v29  }
0x1cb: {  	[tilespmem:s11+$0x200] =	vst v10  }
0x1cc: {  	[tilespmem:s11+$0x0] =	vst v14  }
0x1cd: {  	[tilespmem:s11+$0xFFFFFDF0] =	vst v24  }
0x1ce: {  	[tilespmem:s11+$0xFFFFFE00] =	vst v15  }
0x1cf: {  	v2 =	vsub.f32 v2, v4;
	[tilespmem:s8+$0xE10] =	vst v18  }
0x1d0: {  	v54 =	vxor.u32 v11, v21;
	v56 =	vand.u32 $0x7FFFF, v26;
	[tilespmem:s8+$0xA10] =	vst v16  }
0x1d1: {  	v55 =	vxor.u32 v8, v17;
	v3 =	vsub.f32 v3, v5;
	v8 =	vor.u32 v1, v56;
	[tilespmem:s11+$0xFFFFFFF0] =	vst v2  }
0x1d2: {  	v10 =	vand.u32 $0x7FFFF, v54;
	[tilespmem:s8+$0x410] =	vst v8  }
0x1d3: {  	v57 =	vxor.u32 v13, v11;
	v4 =	vand.u32 $0x7FFFF, v55;
	v10 =	vor.u32 v1, v10;
	[tilespmem:s11+$0x1F0] =	vst v3  }
0x1d4: {  	v58 =	vand.u32 $0x7FFFF, v57;
	v4 =	vor.u32 v1, v4;
	[tilespmem:s8+$0x610] =	vst v10  }
0x1d5: {  	v59 =	vand.u32 $0x7FFFF, v22;
	v2 =	vxor.u32 v6, v27;
	v3 =	vor.u32 v1, v58;
	[tilespmem:s8+$0x210] =	vst v4  }
0x1d6: {  	v2 =	vand.u32 $0x7FFFF, v2;
	v4 =	vor.u32 v1, v59;
	[tilespmem:s8+$0xC10] =	vst v3  }
0x1d7: {  	v3 =	vand.u32 $0x7FFFF, v19;
	v2 =	vor.u32 v1, v2;
	[tilespmem:s8+$0x200] =	vst v4  }
0x1d8: {  	v60 =	vand.u32 $0x7FFFF, v25;
	v3 =	vor.u32 v1, v3;
	[tilespmem:s8+$0x400] =	vst v2  }
0x1d9: {  	s0 =	sor.u32 s6, s5;
	v4 =	vor.u32 v1, v60;
	[tilespmem:s8+$0x0] =	vst v3  }
0x1da: {  	v62 =	vor.u32 v1, v9;
	v2 =	vand.u32 $0x7FFFF, v28;
	v3 =	vxor.u32 v20, v6;
	[tilespmem:s0+$0x14B00] =	vst v4  }
0x1db: {  	v2 =	vor.u32 v1, v2;
	v3 =	vand.u32 $0x7FFFF, v3;
	[tilespmem:s0+$0x14700] =	vst v62  }
0x1dc: {  	[tilespmem:s8+$0x10] =	vst v2;
	v2 =	vand.u32 $0x7FFFF, v7;
	v3 =	vor.u32 v1, v3  }
0x1dd: {  	v61 =	vxor.u32 v23, v27;
	v63 =	vand.u32 $0x7FFFF, v12;
	v2 =	vor.u32 v1, v2;
	[tilespmem:s0+$0x14900] =	vst v3  }
0x1de: {  	v3 =	vor.u32 v1, v63;
	[tilespmem:s0+$0x14300] =	vst v2;
	v2 =	vand.u32 $0x7FFFF, v61  }
0x1df: {  	s30 =	rddreg [dreg:$0x2];
	[tilespmem:s8+$0x810] =	vst v3;
	v2 =	vor.u32 v1, v2  }
0x1e0: {  	s2 =	simm.s32 $0x1000;
	s3 =	simm.s32 $0x13D00;
	s31 =	simm.s32 $0x15D00;
	[tilespmem:s0+$0x14500] =	vst v2  }
0x1e1: {  	[tilespmem:s31], [sflag:$0x1] =	stream.indirect.gather [spmem:s30], $0x1, s3, s2, $0xb8;
	[tilespmem:$0x18100] =	vst v63  }
.LBB2_13:
0x1e2: {  	_ =	swait.ge [sflag:s29], $0x1000  }
0x1e3: {  	[sflag:s29] =	ssyncset.done $0x0  }
0x1e4: {  	s0 =	simm.s32 $0x16D00;
	[sflag:s29] =	ssyncadd.s32 $0xFFFFF000  }
0x1e5: {  	v2 =	vld [tilespmem:s0+$0x0]  }
0x1e6: {  	v4 =	vld [tilespmem:s0+$0x10]  }
0x1e7: {  	v5 =	vld [tilespmem:s0+$0x200]  }
0x1e8: {  	s5 =	simm.s32 $0x0;
	v6 =	vld [tilespmem:s0+$0x400]  }
0x1e9: {  	s2 =	sand.u32 $0x1E0, s5;
	v7 =	vld [tilespmem:s0+$0xE10]  }
0x1ea: {  	v8 =	vld [tilespmem:s2+$0x17B00]  }
0x1eb: {  	v9 =	vld [tilespmem:s0+$0x410]  }
0x1ec: {  	v10 =	vld [tilespmem:s2+$0x17500]  }
0x1ed: {  	v11 =	vld [tilespmem:s0+$0x210]  }
0x1ee: {  	v13 =	vld [tilespmem:s0+$0xA10]  }
0x1ef: {  	v16 =	vld [tilespmem:s0+$0x810]  }
0x1f0: {  	v18 =	vld [tilespmem:s2+$0x17700];
	v12 =	vshll.u32 v2, $0x10;
	v2 =	vand.u32 $0xFFFF0000, v2;
	v14 =	vshll.u32 v5, $0x10  }
0x1f1: {  	v20 =	vld [tilespmem:s0+$0x610];
	v5 =	vand.u32 $0xFFFF0000, v5;
	v15 =	vand.u32 $0xFFFF0000, v6;
	v17 =	vshll.u32 v4, $0x10  }
0x1f2: {  	v21 =	vld [tilespmem:s0+$0xC10];
	v6 =	vshll.u32 v6, $0x10;
	v19 =	vand.u32 $0xFFFF0000, v7;
	v7 =	vshll.u32 v7, $0x10  }
0x1f3: {  	v22 =	vshll.u32 v9, $0x10;
	v4 =	vand.u32 $0xFFFF0000, v4;
	v23 =	vshll.u32 v8, $0x10  }
0x1f4: {  	v24 =	vshll.u32 v11, $0x10;
	v8 =	vand.u32 $0xFFFF0000, v8;
	v9 =	vand.u32 $0xFFFF0000, v9  }
0x1f5: {  	s18 =	simm.s32 $0x13910;
	v26 =	vshll.u32 v16, $0x10;
	v27 =	vshll.u32 v13, $0x10;
	v28 =	vshll.u32 v10, $0x10  }
0x1f6: {  	v3 =	vld [tilespmem:s18+$0xFFFFFDF0];
	v29 =	vshll.u32 v18, $0x10;
	v11 =	vand.u32 $0xFFFF0000, v11;
	v30 =	vshll.u32 v20, $0x10  }
0x1f7: {  	v25 =	vld [tilespmem:s18+$0xFFFFFE00];
	v16 =	vand.u32 $0xFFFF0000, v16;
	v32 =	vshll.u32 v21, $0x10;
	v10 =	vand.u32 $0xFFFF0000, v10  }
0x1f8: {  	v21 =	vand.u32 $0xFFFF0000, v21;
	v5 =	vsub.f32 v5, v15;
	v14 =	vsub.f32 v14, v6  }
0x1f9: {  	v13 =	vand.u32 $0xFFFF0000, v13;
	v11 =	vsub.f32 v11, v9;
	v24 =	vsub.f32 v24, v22  }
0x1fa: {  	v20 =	vand.u32 $0xFFFF0000, v20;
	v17 =	vsub.f32 v17, v30;
	v27 =	vsub.f32 v27, v32  }
0x1fb: {  	v18 =	vand.u32 $0xFFFF0000, v18;
	v10 =	vsub.f32 v10, v8;
	v13 =	vsub.f32 v13, v21  }
0x1fc: {  	v31 =	vld [tilespmem:s2+$0x17900];
	v16 =	vsub.f32 v16, v19;
	v14 =	vmul.f32 v14, v3;
	v11 =	vmul.f32 v11, v25  }
0x1fd: {  	v4 =	vsub.f32 v4, v20;
	v17 =	vmul.f32 v17, v25;
	v13 =	vmul.f32 v13, v25  }
0x1fe: {  	v26 =	vsub.f32 v26, v7;
	v10 =	vmul.f32 v10, v3;
	v16 =	vmul.f32 v16, v25  }
0x1ff: {  	v4 =	vmul.f32 v4, v25;
	v14 =	vadd.f32 v6, v14;
	v33 =	vadd.f32 v9, v11  }
0x200: {  	v6 =	vmul.f32 v24, v25;
	v9 =	vsub.f32 v28, v23;
	v17 =	vadd.f32 v30, v17  }
0x201: {  	v24 =	vld [tilespmem:s2+$0x17300];
	v11 =	vshll.u32 v31, $0x10;
	v13 =	vadd.f32 v21, v13;
	v16 =	vadd.f32 v19, v16  }
0x202: {  	v28 =	vand.u32 $0xFFFF0000, v31;
	v8 =	vadd.f32 v8, v10;
	v6 =	vadd.f32 v22, v6;
	v22 =	vld [tilespmem:s18+$0x0]  }
0x203: {  	v19 =	vmul.f32 v26, v25;
	v4 =	vadd.f32 v20, v4;
	v18 =	vsub.f32 v18, v28  }
0x204: {  	s6 =	simm.s32 $0x20;
	v5 =	vmul.f32 v5, v3;
	v29 =	vsub.f32 v29, v11;
	v16 =	vsub.f32 v16, v13  }
0x205: {  	s3 =	sand.u32 $0x1E0, s6;
	v34 =	vld [tilespmem:s18+$0xFFFFFFF0];
	v9 =	vmul.f32 v9, v3;
	v7 =	vadd.f32 v7, v19;
	v17 =	vsub.f32 v17, v6  }
0x206: {  	s23 =	simm.s32 $0x16D20;
	v36 =	vld [tilespmem:s3+$0x17700];
	v30 =	vshll.u32 v24, $0x10;
	v31 =	vand.u32 $0xFFFF0000, v24;
	v24 =	vmul.f32 v29, v3  }
0x207: {  	v41 =	vld [tilespmem:s23+$0x610];
	v18 =	vmul.f32 v18, v3;
	v2 =	vsub.f32 v2, v31;
	v17 =	vmul.f32 v17, v22  }
0x208: {  	v48 =	vld [tilespmem:s3+$0x17900];
	v12 =	vsub.f32 v12, v30;
	v10 =	vmul.f32 v16, v22;
	v29 =	vadd.f32 v11, v24  }
0x209: {  	v16 =	vld [tilespmem:s3+$0x17B00];
	v21 =	vadd.f32 v17, v6;
	v6 =	vadd.f32 v23, v9;
	v9 =	vmul.f32 v27, v25  }
0x20a: {  	v24 =	vld [tilespmem:s23+$0x210];
	v27 =	vadd.f32 v15, v5;
	v15 =	vmul.f32 v2, v3;
	v2 =	vmul.f32 v12, v3  }
0x20b: {  	v17 =	vadd.f32 v28, v18;
	v18 =	vld [tilespmem:s23+$0x0];
	v26 =	vadd.f32 v32, v9  }
0x20c: {  	v46 =	vshll.u32 v36, $0x10;
	v25 =	vld [tilespmem:s23+$0x200];
	v12 =	vadd.f32 v30, v2;
	v2 =	vadd.f32 v10, v13  }
0x20d: {  	v47 =	vshll.u32 v41, $0x10;
	v5 =	vld [tilespmem:s23+$0x400];
	v54 =	vsub.f32 v6, v29;
	v6 =	vsub.f32 v4, v33  }
0x20e: {  	v23 =	vld [tilespmem:s23+$0x10];
	v8 =	vsub.f32 v8, v17;
	v15 =	vadd.f32 v31, v15;
	v31 =	vand.u32 $0xFFFF0000, v48  }
0x20f: {  	v40 =	vshll.u32 v16, $0x10;
	v42 =	vshll.u32 v24, $0x10;
	v39 =	vmul.f32 v6, v22  }
0x210: {  	v35 =	vld [tilespmem:s23+$0x810];
	v28 =	vsub.f32 v7, v26;
	v6 =	vmul.f32 v8, v34;
	v55 =	vmul.f32 v54, v34  }
0x211: {  	v9 =	vld [tilespmem:s23+$0xE10];
	v15 =	vsub.f32 v15, v27;
	v3 =	vshll.u32 v18, $0x10;
	v19 =	vand.u32 $0xFFFF0000, v18  }
0x212: {  	s7 =	simm.s32 $0x13930;
	v10 =	vld [tilespmem:s3+$0x17500];
	v13 =	vshll.u32 v25, $0x10;
	v20 =	vand.u32 $0xFFFF0000, v25;
	v11 =	vand.u32 $0xFFFF0000, v5  }
0x213: {  	v43 =	vld [tilespmem:s7+$0xFFFFFE00];
	v25 =	vsub.f32 v12, v14;
	v30 =	vshll.u32 v23, $0x10;
	v5 =	vshll.u32 v5, $0x10  }
0x214: {  	v18 =	vld [tilespmem:s23+$0x410];
	v23 =	vand.u32 $0xFFFF0000, v23;
	v7 =	vsub.f32 v20, v11;
	v37 =	vsub.f32 v13, v5  }
0x215: {  	v8 =	vld [tilespmem:s23+$0xC10];
	v13 =	vand.u32 $0xFFFF0000, v16;
	v6 =	vadd.f32 v6, v17;
	v30 =	vsub.f32 v30, v47  }
0x216: {  	v4 =	vld [tilespmem:s7+$0xFFFFFDF0];
	v33 =	vadd.f32 v39, v33;
	v22 =	vmul.f32 v28, v22;
	v12 =	vand.u32 $0xFFFF0000, v9  }
0x217: {  	v9 =	vshll.u32 v9, $0x10;
	v45 =	vshll.u32 v10, $0x10;
	v10 =	vand.u32 $0xFFFF0000, v10  }
0x218: {  	v20 =	vld [tilespmem:s23+$0xA10];
	v57 =	vsub.f32 v45, v40;
	v30 =	vmul.f32 v30, v43;
	v10 =	vsub.f32 v10, v13  }
0x219: {  	v38 =	vshll.u32 v18, $0x10;
	v16 =	vand.u32 $0xFFFF0000, v18;
	v18 =	vmul.f32 v25, v34  }
0x21a: {  	v17 =	vshll.u32 v8, $0x10;
	v25 =	vshll.u32 v35, $0x10;
	v35 =	vand.u32 $0xFFFF0000, v35  }
0x21b: {  	v14 =	vadd.f32 v18, v14;
	v18 =	vmul.f32 v7, v4;
	v7 =	vand.u32 $0xFFFF0000, v24  }
0x21c: {  	v42 =	vsub.f32 v42, v38;
	v24 =	vmul.f32 v37, v4;
	v7 =	vsub.f32 v7, v16  }
0x21d: {  	v44 =	vshll.u32 v20, $0x10;
	v63 =	vsub.f32 v35, v12;
	v35 =	vadd.f32 v55, v29  }
0x21e: {  	v56 =	vmul.f32 v7, v43;
	v7 =	vadd.f32 v5, v24;
	v24 =	vmul.f32 v42, v43  }
0x21f: {  	v58 =	vld [tilespmem:s3+$0x17300];
	v28 =	vand.u32 $0xFFFF0000, v8;
	v59 =	vsub.f32 v25, v9;
	v44 =	vsub.f32 v44, v17  }
0x220: {  	v8 =	vld [tilespmem:s7+$0x0];
	v62 =	vmul.f32 v57, v4;
	v37 =	vsub.f32 v14, v35;
	v38 =	vadd.f32 v38, v24  }
0x221: {  	v20 =	vand.u32 $0xFFFF0000, v20;
	v24 =	vadd.f32 v22, v26;
	v22 =	vadd.f32 v47, v30  }
0x222: {  	v5 =	vadd.f32 v16, v56;
	v16 =	vshll.u32 v48, $0x10;
	v26 =	vsub.f32 v20, v28  }
0x223: {  	v20 =	vand.u32 $0xFFFF0000, v41;
	v30 =	vand.u32 $0xFFFF0000, v36;
	v22 =	vsub.f32 v22, v38  }
0x224: {  	v36 =	vmul.f32 v44, v43;
	v25 =	vsub.f32 v30, v31;
	v30 =	vmul.f32 v26, v43  }
0x225: {  	v60 =	vsub.f32 v23, v20;
	v23 =	vshll.u32 v58, $0x10;
	v22 =	vmul.f32 v22, v8  }
0x226: {  	v61 =	vsub.f32 v21, v24;
	v21 =	vmul.f32 v25, v4;
	v25 =	vadd.f32 v28, v30;
	v28 =	vld [tilespmem:s18+$0x200]  }
0x227: {  	v29 =	vld [tilespmem:s18+$0x1F0];
	v30 =	vmul.f32 v10, v4;
	v10 =	vadd.f32 v22, v38;
	v22 =	vmul.f32 v15, v34  }
0x228: {  	s9 =	simm.s32 $0x2;
	v32 =	vsub.f32 v46, v16;
	v26 =	vsub.f32 v33, v2;
	v33 =	vmul.f32 v59, v43  }
0x229: {  	s21 =	simm.s32 $0x10;
	s10 =	simm.s32 $0x40;
	s3 =	simm.s32 $0x40;
	v21 =	vadd.f32 v31, v21;
	v15 =	vand.u32 $0xFFFF0000, v58;
	v22 =	vadd.f32 v22, v27  }
0x22a: {  	s12 =	simm.s32 $0x13950;
	s30 =	sand.u32 $0x300, s5;
	s31 =	sand.u32 $0x300, s3;
	v38 =	vmul.f32 v63, v43;
	v34 =	vmul.f32 v60, v43;
	v27 =	vadd.f32 v40, v62  }
0x22b: {  	s11 =	sadd.s32 $0x17D00, s30;
	s8 =	sadd.s32 $0x17D00, s31;
	v14 =	vld [tilespmem:s7+$0xFFFFFFF0];
	s18 =	simm.s32 $0x16D40;
	v39 =	vmul.f32 v61, v28;
	v31 =	vsub.f32 v22, v6;
	v22 =	vsub.f32 v19, v15  }
.LBB2_14:
0x22c: {  	v40 =	vld [tilespmem:s18+$0x0];
	s20 =	sand.u32 $0x1E0, s10;
	s9 =	sadd.s32 $0x2, s9;
	v32 =	vmul.f32 v32, v4;
	v19 =	vadd.f32 v11, v18;
	s3 =	sadd.s32 $0x40, s3;
	v11 =	vmul.f32 v37, v29  }
0x22d: {  	v12 =	vadd.f32 v12, v38;
	s2 =	sand.u32 $0x70, s21;
	v26 =	vmul.f32 v26, v28;
	v18 =	vld [tilespmem:s12+$0xFFFFFDF0];
	s0 =	sand.u32 $0x300, s3;
	p2 =	slt.u32 s9, $0x1E;
	v24 =	vadd.f32 v39, v24  }
0x22e: {  	v3 =	vsub.f32 v3, v23;
	s5 =	sand.u32 $0x60, s5;
	v37 =	vmul.f32 v22, v4;
	s2 =	sor.u32 s2, s11;
	s0 =	sadd.s32 $0x17D00, s0;
	v28 =	vld [tilespmem:s18+$0x10];
	v11 =	vadd.f32 v11, v35  }
0x22f: {  	v36 =	vadd.f32 v17, v36;
	v17 =	vmul.f32 v31, v29;
	s19 =	sor.u32 s5, s11;
	s11 =	smov.u32 s8;
	v12 =	vsub.f32 v12, v25;
	v35 =	vld [tilespmem:s18+$0x200];
	[tilespmem:s2+$0x0] =	vst v24;
	s8 =	smov.u32 s0  }
0x230: {  	v13 =	vadd.f32 v13, v30;
	v9 =	vadd.f32 v9, v33;
	s5 =	smov.u32 s6;
	s6 =	smov.u32 s10;
	v22 =	vmul.f32 v3, v4;
	v24 =	vld [tilespmem:s18+$0x400];
	[tilespmem:s19+$0x0] =	vst v11  }
0x231: {  	v11 =	vmul.f32 v12, v8;
	v12 =	vadd.f32 v26, v2;
	v3 =	vshll.u32 v40, $0x10;
	v29 =	vld [tilespmem:s18+$0xE10]  }
0x232: {  	v6 =	vadd.f32 v17, v6;
	v23 =	vadd.f32 v23, v22;
	v26 =	vld [tilespmem:s20+$0x17B00];
	v4 =	vmov v18  }
0x233: {  	v22 =	vand.u32 $0xFFFF0000, v40;
	v18 =	vadd.f32 v20, v34;
	v2 =	vadd.f32 v11, v25;
	v17 =	vld [tilespmem:s18+$0x410];
	[tilespmem:s2+$0x80] =	vst v12  }
0x234: {  	v31 =	vadd.f32 v16, v32;
	v20 =	vld [tilespmem:s20+$0x17500];
	v25 =	vshll.u32 v35, $0x10;
	v12 =	vand.u32 $0xFFFF0000, v35;
	[tilespmem:s19+$0x80] =	vst v6  }
0x235: {  	v6 =	vsub.f32 v23, v7;
	v23 =	vsub.f32 v9, v36;
	v11 =	vand.u32 $0xFFFF0000, v24;
	v16 =	vld [tilespmem:s18+$0x210]  }
0x236: {  	v27 =	vsub.f32 v27, v31;
	v33 =	vshll.u32 v28, $0x10;
	v30 =	vsub.f32 v12, v11;
	v32 =	vld [tilespmem:s18+$0xA10]  }
0x237: {  	v18 =	vsub.f32 v18, v5;
	v24 =	vshll.u32 v24, $0x10;
	v12 =	vand.u32 $0xFFFF0000, v29;
	v34 =	vld [tilespmem:s18+$0x810]  }
0x238: {  	v13 =	vsub.f32 v13, v21;
	v25 =	vsub.f32 v25, v24;
	v9 =	vshll.u32 v29, $0x10;
	v35 =	vld [tilespmem:s20+$0x17700]  }
0x239: {  	v28 =	vand.u32 $0xFFFF0000, v28;
	v39 =	vmul.f32 v18, v8;
	v38 =	vshll.u32 v17, $0x10;
	v29 =	vld [tilespmem:s18+$0xC10]  }
0x23a: {  	v18 =	vmul.f32 v13, v14;
	v40 =	vshll.u32 v26, $0x10;
	v41 =	vld [tilespmem:s18+$0x610];
	v42 =	vshll.u32 v16, $0x10  }
0x23b: {  	v13 =	vand.u32 $0xFFFF0000, v26;
	v26 =	vand.u32 $0xFFFF0000, v17;
	v17 =	vmul.f32 v6, v14;
	v43 =	vld [tilespmem:s20+$0x17300]  }
0x23c: {  	v6 =	vadd.f32 v18, v21;
	v46 =	vshll.u32 v32, $0x10;
	v44 =	vld [tilespmem:s12+$0xFFFFFE00];
	v45 =	vshll.u32 v34, $0x10  }
0x23d: {  	v21 =	vshll.u32 v20, $0x10;
	v48 =	vadd.f32 v17, v7;
	v47 =	vshll.u32 v35, $0x10  }
0x23e: {  	v18 =	vmul.f32 v30, v4;
	v7 =	vand.u32 $0xFFFF0000, v16;
	v30 =	vsub.f32 v42, v38  }
0x23f: {  	v7 =	vsub.f32 v7, v26;
	v34 =	vand.u32 $0xFFFF0000, v34;
	v42 =	vshll.u32 v41, $0x10  }
0x240: {  	v27 =	vmul.f32 v27, v14;
	v16 =	vmul.f32 v25, v4;
	v49 =	vld [tilespmem:s20+$0x17900];
	v25 =	vsub.f32 v33, v42  }
0x241: {  	v39 =	vadd.f32 v39, v5;
	v17 =	vshll.u32 v29, $0x10;
	v33 =	vmul.f32 v7, v44  }
0x242: {  	v8 =	vmul.f32 v23, v8;
	v7 =	vadd.f32 v24, v16;
	v16 =	vmul.f32 v30, v44  }
0x243: {  	v20 =	vand.u32 $0xFFFF0000, v20;
	v29 =	vand.u32 $0xFFFF0000, v29;
	v5 =	vadd.f32 v26, v33  }
0x244: {  	v21 =	vsub.f32 v21, v40;
	v23 =	vmul.f32 v25, v44;
	v33 =	vadd.f32 v38, v16  }
0x245: {  	v24 =	vadd.f32 v8, v36;
	v38 =	vsub.f32 v46, v17;
	v16 =	vshll.u32 v49, $0x10  }
0x246: {  	v15 =	vadd.f32 v15, v37;
	v25 =	vand.u32 $0xFFFF0000, v32;
	v23 =	vadd.f32 v42, v23;
	v8 =	vld [tilespmem:s12+$0x0]  }
0x247: {  	v30 =	vsub.f32 v20, v13;
	v25 =	vsub.f32 v25, v29;
	v42 =	vand.u32 $0xFFFF0000, v49  }
0x248: {  	v15 =	vsub.f32 v15, v19;
	v20 =	vand.u32 $0xFFFF0000, v41;
	v32 =	vsub.f32 v23, v33  }
0x249: {  	v37 =	vsub.f32 v45, v9;
	v41 =	vsub.f32 v28, v20;
	v23 =	vand.u32 $0xFFFF0000, v35  }
0x24a: {  	v26 =	vsub.f32 v39, v2;
	v25 =	vmul.f32 v25, v44;
	v28 =	vsub.f32 v23, v42  }
0x24b: {  	v39 =	vsub.f32 v10, v24;
	v23 =	vshll.u32 v43, $0x10;
	v35 =	vmul.f32 v32, v8  }
0x24c: {  	v25 =	vadd.f32 v29, v25;
	v45 =	vmul.f32 v28, v4;
	v32 =	vsub.f32 v47, v16  }
0x24d: {  	v14 =	vmul.f32 v15, v14;
	v30 =	vmul.f32 v30, v4;
	v10 =	vadd.f32 v35, v33;
	v28 =	vld [tilespmem:s7+$0x200]  }
.Ltmp5:
0x24e: {  	v21 =	vmul.f32 v21, v4;
	v34 =	vsub.f32 v34, v12;
	v35 =	vadd.f32 v27, v31;
	v29 =	vld [tilespmem:s7+$0x1F0];
	s7 =	smov.u32 s12;
	(pc) =	sbr.rel @p2 .LBB2_14-.Ltmp5, $4  }
0x24f: {  	v14 =	vadd.f32 v14, v19;
	v15 =	vand.u32 $0xFFFF0000, v43;
	v36 =	vmul.f32 v38, v44  }
0x250: {  	v27 =	vadd.f32 v40, v21;
	v33 =	vmul.f32 v37, v44;
	v37 =	vsub.f32 v48, v35  }
0x251: {  	s21 =	sadd.s32 $0x10, s5;
	v38 =	vmul.f32 v34, v44;
	v21 =	vadd.f32 v42, v45;
	v31 =	vsub.f32 v14, v6  }
0x252: {  	s10 =	sadd.s32 $0x20, s10;
	s18 =	sadd.s32 $0x20, s18;
	v22 =	vsub.f32 v22, v15;
	v34 =	vmul.f32 v41, v44;
	s12 =	sadd.s32 $0x20, s12;
	v14 =	vld [tilespmem:s7+$0xFFFFFFF0];
	v39 =	vmul.f32 v39, v28  }
0x253: {  	v12 =	vadd.f32 v12, v38;
	v3 =	vsub.f32 v3, v23  }
0x254: {  	v11 =	vadd.f32 v11, v18;
	v17 =	vadd.f32 v17, v36  }
0x255: {  	v19 =	vmul.f32 v37, v29;
	v13 =	vadd.f32 v13, v30;
	v9 =	vadd.f32 v9, v33  }
0x256: {  	v51 =	vmul.f32 v32, v4;
	v50 =	vadd.f32 v39, v24;
	v20 =	vadd.f32 v20, v34  }
0x257: {  	v12 =	vsub.f32 v12, v25;
	v19 =	vadd.f32 v19, v35;
	v3 =	vmul.f32 v3, v4  }
0x258: {  	v52 =	vmul.f32 v22, v4;
	v16 =	vadd.f32 v16, v51;
	v9 =	vsub.f32 v9, v17  }
0x259: {  	v13 =	vsub.f32 v13, v21;
	v3 =	vadd.f32 v23, v3  }
0x25a: {  	v4 =	vadd.f32 v15, v52;
	v54 =	vsub.f32 v20, v5  }
0x25b: {  	v12 =	vmul.f32 v12, v8;
	v53 =	vsub.f32 v27, v16;
	v3 =	vsub.f32 v3, v7  }
0x25c: {  	v13 =	vmul.f32 v13, v14;
	v9 =	vmul.f32 v9, v8;
	v4 =	vsub.f32 v4, v11  }
0x25d: {  	v56 =	vld [tilespmem:s7+$0x200];
	v12 =	vadd.f32 v12, v25;
	v55 =	vmul.f32 v53, v14;
	v3 =	vmul.f32 v3, v14  }
0x25e: {  	v58 =	vld [tilespmem:s7+$0x1F0];
	v57 =	vmul.f32 v54, v8;
	v13 =	vadd.f32 v13, v21;
	v9 =	vadd.f32 v9, v17  }
0x25f: {  	v4 =	vmul.f32 v4, v14;
	v59 =	vadd.f32 v55, v16;
	v3 =	vadd.f32 v3, v7  }
0x260: {  	s0 =	sand.u32 $0x70, s21;
	v60 =	vmul.f32 v26, v28;
	v61 =	vadd.f32 v57, v5;
	v62 =	vsub.f32 v10, v9  }
0x261: {  	s2 =	sand.u32 $0x60, s5;
	v63 =	vmul.f32 v31, v29;
	s0 =	sor.u32 s0, s11;
	v4 =	vadd.f32 v4, v11;
	v3 =	vsub.f32 v3, v59  }
0x262: {  	s2 =	sor.u32 s2, s11;
	v2 =	vadd.f32 v60, v2;
	[tilespmem:s0+$0x0] =	vst v50;
	v5 =	vsub.f32 v61, v12;
	v8 =	vmul.f32 v62, v56  }
0x263: {  	s3 =	sadd.s32 $0x10, s6;
	v6 =	vadd.f32 v63, v6;
	[tilespmem:s2+$0x0] =	vst v19;
	v4 =	vsub.f32 v4, v13;
	v3 =	vmul.f32 v3, v58  }
0x264: {  	s23 =	sand.u32 $0x70, s3;
	[tilespmem:s0+$0x80] =	vst v2;
	v5 =	vmul.f32 v5, v56;
	v2 =	vadd.f32 v8, v9  }
0x265: {  	s30 =	sand.u32 $0x60, s6;
	[tilespmem:s2+$0x80] =	vst v6;
	s0 =	sor.u32 s23, s8;
	v4 =	vmul.f32 v4, v58;
	v3 =	vadd.f32 v3, v59  }
0x266: {  	s2 =	sor.u32 s30, s8;
	[tilespmem:s0+$0x0] =	vst v2;
	v2 =	vadd.f32 v5, v12  }
0x267: {  	s17 =	sadd.s32 $0x1, s17;
	[tilespmem:s2+$0x0] =	vst v3;
	v3 =	vadd.f32 v4, v13  }
0x268: {  	p2 =	sne.s32 s17, $0x4;
	[tilespmem:s0+$0x80] =	vst v2  }
.Ltmp6:
0x269: {  	s31 =	sadd.s32 s15, s4;
	[tilespmem:s2+$0x80] =	vst v3;
	(pc) =	sbr.rel @p2 .LBB2_5-.Ltmp6, $4  }
0x26a: {  	[hbm4b:s31+s25] =	stream.strided.scatter [tilespmem:s28], [sflag:$0x4], $0x400, s26, s25, $0x38;
	[tilespmem:$0x18100] =	vst v63  }
0x26b: {  	_ =	swait.ge [sflag:s14], $0x400  }
0x26c: {  	[sflag:s14] =	ssyncset.done $0x0  }
0x26d: {  	[sflag:s14] =	ssyncadd.s32 $0xFFFFFC00  }
0x26e: {  	s10 =	rddreg [dreg:$0xf]  }
0x26f: {  	s10 =	sadd.s32 $0x1, s10  }
0x270: {  	p2 =	sne.s32 s10, $0x10  }
.Ltmp7:
0x271: {  	_ = 	snop;
	(pc) =	sbr.rel @p2 .LBB2_2-.Ltmp7, $1  }
0x272: {  	_ =	sdelay $0x3  }
0x273: {  	s1 =	rddreg [dreg:$0xe]  }
0x274: {  	s0 =	rddreg [dreg:$0xb];
	s1 =	sadd.s32 $0x1, s1  }
0x275: {  	p2 =	sne.s32 s1, s0  }
.Ltmp8:
0x276: {  	_ = 	snop;
	(pc) =	sbr.rel @p2 .LBB2_1-.Ltmp8, $1  }
0x277: {  	_ =	sdelay $0x3  }
0x278: {  	_ =	sfence.sel $0x180000  }
0x279: {  	[bflag:$0x0] =	sbarrier.arrive $0xFFFF  }
0x27a: {  	_ =	strace $0x90000047  }
0x27b: {  	[bflag:$0x2] =	sbarrier.arrive $0xFFFF  }
0x27c: {  	s0 =	rddreg [dreg:$0x3]  }
0x27d: {  	s0 =	sadd.s32 @!p0 $0x100000, s0  }
0x27e: {  	[sflag:s0] =	ssyncadd.tile.s32 @!p0 $0x1;
	_ =	shalt  }
.Lfunc_end2:
_tile_overlayer_lowered:
.L_overlay_start_2:
0x27f: {  	(tag) =	ssettag $0x2  }
0x280: {  	s0 =	rddreg [dreg:$0x0];
	s2 =	stileid.u32  }
0x281: {  	s1 =	rddreg [dreg:$0x1];
	p0 =	sne.s32 s2, $0x0  }
0x282: {  	s3 =	rddreg [dreg:$0x2];
	[bflag:$0x3] =	sbarrier.arrive $0xFFFF;
	s2 =	simm.s32 @!p0 $0x1C04  }
0x283: {  	[timem:s3], [sflag:s2] =	dma.local @!p0 [hbm:s0], s1  }
0x284: {  	s0 =	simm.s32 @!p0 $0x4  }
0x285: {  	_ =	swait.ge @!p0 [sflag:s0], s1  }
0x286: {  	s1 =	ssub.s32 @!p0 $0x0, s1;
	[sflag:s0] =	ssyncset.done @!p0 $0x0  }
0x287: {  	[sflag:s0] =	ssyncadd.s32 @!p0 s1  }
0x288: {  	[bflag:$0x3] =	sbarrier.arrive $0xFFFF  }
0x289: {  	_ =	shalt  }

</sc_bundles>
